<compile_context>
chip_gen: v7x
topology: tpu7x:2x2x1
jax: 0.10.2.dev20260603
libtpu: 0.0.44.dev20260713+nightly
codegen_flags: <defaults>
</compile_context>

<pallas_src>
import functools

import jax
import jax.numpy as jnp
import numpy as np
from jax import lax
from jax.experimental import pallas as pl
from jax.experimental.pallas import tpu as pltpu
from jax.experimental.pallas import tpu_sc as plsc

N = 16384
D = 128
NC = 2
NS = 16
L = 16
NW = NC * NS

N_SC = 2048
N_TC = N - N_SC
RPW = N_SC // NW
C = 64
NCHUNK = RPW // C
BLK = 2048

_GDN = lax.GatherDimensionNumbers(
    offset_dims=(), collapsed_slice_dims=(0,), start_index_map=(0,)
)


def _permute(v, p):
    return lax.gather(
        v,
        p[:, None],
        _GDN,
        slice_sizes=(1,),
        mode=lax.GatherScatterMode.PROMISE_IN_BOUNDS,
    )


def _dot_rows_body(gu_hbm, gi_hbm, out_hbm, gu_v, gi_v, rs_v, out_v, sems):
    wid = lax.axis_index("s") * NC + lax.axis_index("c")
    base = wid * RPW
    lane = lax.iota(jnp.int32, L)
    pidx = {w: lane ^ w for w in (8, 4, 2, 1)}
    keep = {w: (lane & w) == 0 for w in (8, 4, 2, 1)}

    def merge(x, y, w):
        return jnp.where(
            keep[w], x + _permute(x, pidx[w]), y + _permute(y, pidx[w])
        )

    def start(j):
        slot = j & 1
        row0 = base + j * C
        pltpu.async_copy(gu_hbm.at[pl.ds(row0, C)], gu_v.at[slot], sems.at[slot])
        pltpu.async_copy(gi_hbm.at[pl.ds(row0, C)], gi_v.at[slot], sems.at[slot])

    start(0)

    @pl.loop(0, NCHUNK)
    def _chunk(j):
        @pl.when(j < NCHUNK - 1)
        def _prefetch():
            start(j + 1)

        slot = j & 1
        pltpu.make_async_copy(
            gu_hbm.at[pl.ds(0, C)], gu_v.at[slot], sems.at[slot]
        ).wait()
        pltpu.make_async_copy(
            gi_hbm.at[pl.ds(0, C)], gi_v.at[slot], sems.at[slot]
        ).wait()

        @pl.loop(0, C)
        def _row(r):
            prods = [
                gu_v[slot, r, pl.ds(k * L, L)] * gi_v[slot, r, pl.ds(k * L, L)]
                for k in range(D // L)
            ]
            while len(prods) > 1:
                prods = [prods[i] + prods[i + 1] for i in range(0, len(prods), 2)]
            rs_v[r, :] = prods[0]

        @pl.loop(0, C // L)
        def _group(g):
            def build(i, step):
                if step == L:
                    return rs_v[g * L + i, :]
                return merge(build(i, 2 * step), build(i + step, 2 * step), step)

            out_v[pl.ds(j * C + g * L, L)] = build(0, 1)

    pltpu.sync_copy(out_v, out_hbm.at[pl.ds(base, RPW)])


def _sc_part(gu, gi):
    mesh = plsc.VectorSubcoreMesh(
        core_axis_name="c", subcore_axis_name="s", num_cores=NC, num_subcores=NS
    )
    return pl.kernel(
        _dot_rows_body,
        out_type=jax.ShapeDtypeStruct((N_SC,), jnp.float32),
        mesh=mesh,
        scratch_types=[
            pltpu.VMEM((2, C, D), jnp.float32),
            pltpu.VMEM((2, C, D), jnp.float32),
            pltpu.VMEM((C, L), jnp.float32),
            pltpu.VMEM((RPW,), jnp.float32),
            pltpu.SemaphoreType.DMA((2,)),
        ],
    )(gu, gi)


def _tc_body(gu_ref, gi_ref, out_ref):
    out_ref[...] = jnp.sum(gu_ref[...] * gi_ref[...], axis=1)


def _tc_part(gu, gi):
    return pl.pallas_call(
        _tc_body,
        grid=(N_TC // BLK,),
        in_specs=[
            pl.BlockSpec((BLK, D), lambda i: (i + N_SC // BLK, 0)),
            pl.BlockSpec((BLK, D), lambda i: (i + N_SC // BLK, 0)),
        ],
        out_specs=pl.BlockSpec((BLK,), lambda i: (i,)),
        out_shape=jax.ShapeDtypeStruct((N_TC,), jnp.float32),
    )(gu, gi)


@jax.jit
def kernel(gu, gi):
    return jnp.concatenate([_sc_part(gu, gi), _tc_part(gu, gi)])

# --- scband reference (transcript-rebuilt; emitter-appended) ---
"""Pipeline reference for scband-dgcfmodel-35734127903458 (READ-ONLY COPY).

The authoritative reference and input builder live on the scoring server;
editing this copy changes nothing except your own understanding.
"""

import jax, jax.numpy as jnp
import numpy as np


def setup_inputs(seed: int = 0) -> dict:
    key = jax.random.key(seed)
    k1, k2 = jax.random.split(key)
    gu = jax.random.normal(k1, (16384, 128), dtype=jnp.float32)
    gi = jax.random.normal(k2, (16384, 128), dtype=jnp.float32)
    return {"gu": gu, "gi": gi}


def reference(gu, gi):
    # Faithful translation of DGCFModel.forward:
    #   gamma_u = squeeze(gu); gamma_i = squeeze(gi)
    #   xui = sum(gamma_u * gamma_i, dim=1)
    gamma_u = jnp.squeeze(gu)
    gamma_i = jnp.squeeze(gi)
    xui = jnp.sum(gamma_u * gamma_i, axis=1)
    return xui

if __name__ == "__main__":
    import jax
    _d = setup_inputs()
    print(jax.jit(kernel)(*tuple(_d.values())))

</pallas_src>

<mosaic_0001>
#map = affine_map<(d0, d1) -> (0, 0)>
#map1 = affine_map<(d0, d1) -> (0)>
module attributes {stable_mosaic.version = 14 : i64} {
  func.func @_dot_rows_body(%arg0: i32, %arg1: i32, %arg2: memref<16384x128xf32, #tpu.memory_space<hbm>>, %arg3: memref<16384x128xf32, #tpu.memory_space<hbm>>, %arg4: memref<2048xf32, #tpu.memory_space<hbm>>, %arg5: memref<2x64x128xf32, #tpu.memory_space<vmem>>, %arg6: memref<2x64x128xf32, #tpu.memory_space<vmem>>, %arg7: memref<64x16xf32, #tpu.memory_space<vmem>>, %arg8: memref<64xf32, #tpu.memory_space<vmem>>, %arg9: memref<2x!tpu.dma_semaphore, #tpu.memory_space<semaphore_mem>>) attributes {dimension_semantics = [#tpu.dimension_semantics<core_parallel>, #tpu.dimension_semantics<subcore_parallel>], iteration_bounds = array<i64: 2, 16>, scalar_prefetch = 0 : i64, scratch_operands = 5 : i64, tpu.core_type = #tpu.core_type<sc_vector_subcore>, window_params = [{transform_indices = #map}, {transform_indices = #map}, {transform_indices = #map1}]} {
    %mul3A = arith.constant 2 : i32
    %mul3A_0 = arith.muli %arg1, %mul3A : i32
    %add3A = arith.addi %mul3A_0, %arg0 : i32
    %mul3A_1 = arith.constant 64 : i32
    %mul3A_2 = arith.muli %add3A, %mul3A_1 : i32
    %iota3A = tpu.iota {dimensions = array<i32: 0>} : vector<16xi32>
    %xor3A = arith.constant 8 : i32
    %xor3A_3 = vector.broadcast %xor3A : i32 to vector<16xi32>
    %xor3A_4 = arith.xori %iota3A, %xor3A_3 : vector<16xi32>
    %xor3A_5 = arith.constant 4 : i32
    %xor3A_6 = vector.broadcast %xor3A_5 : i32 to vector<16xi32>
    %xor3A_7 = arith.xori %iota3A, %xor3A_6 : vector<16xi32>
    %xor3A_8 = arith.constant 2 : i32
    %xor3A_9 = vector.broadcast %xor3A_8 : i32 to vector<16xi32>
    %xor3A_10 = arith.xori %iota3A, %xor3A_9 : vector<16xi32>
    %xor3A_11 = arith.constant 1 : i32
    %xor3A_12 = vector.broadcast %xor3A_11 : i32 to vector<16xi32>
    %xor3A_13 = arith.xori %iota3A, %xor3A_12 : vector<16xi32>
    %and3A = arith.constant 8 : i32
    %and3A_14 = vector.broadcast %and3A : i32 to vector<16xi32>
    %and3A_15 = arith.andi %iota3A, %and3A_14 : vector<16xi32>
    %eq3A = arith.constant 0 : i32
    %eq3A_16 = vector.broadcast %eq3A : i32 to vector<16xi32>
    %eq3A_17 = arith.cmpi eq, %and3A_15, %eq3A_16 : vector<16xi32>
    %and3A_18 = arith.constant 4 : i32
    %and3A_19 = vector.broadcast %and3A_18 : i32 to vector<16xi32>
    %and3A_20 = arith.andi %iota3A, %and3A_19 : vector<16xi32>
    %eq3A_21 = arith.constant 0 : i32
    %eq3A_22 = vector.broadcast %eq3A_21 : i32 to vector<16xi32>
    %eq3A_23 = arith.cmpi eq, %and3A_20, %eq3A_22 : vector<16xi32>
    %and3A_24 = arith.constant 2 : i32
    %and3A_25 = vector.broadcast %and3A_24 : i32 to vector<16xi32>
    %and3A_26 = arith.andi %iota3A, %and3A_25 : vector<16xi32>
    %eq3A_27 = arith.constant 0 : i32
    %eq3A_28 = vector.broadcast %eq3A_27 : i32 to vector<16xi32>
    %eq3A_29 = arith.cmpi eq, %and3A_26, %eq3A_28 : vector<16xi32>
    %and3A_30 = arith.constant 1 : i32
    %and3A_31 = vector.broadcast %and3A_30 : i32 to vector<16xi32>
    %and3A_32 = arith.andi %iota3A, %and3A_31 : vector<16xi32>
    %eq3A_33 = arith.constant 0 : i32
    %eq3A_34 = vector.broadcast %eq3A_33 : i32 to vector<16xi32>
    %eq3A_35 = arith.cmpi eq, %and3A_32, %eq3A_34 : vector<16xi32>
    %add3A_36 = arith.constant 0 : i32
    %add3A_37 = arith.addi %mul3A_2, %add3A_36 : i32
    %dma_start3A = arith.constant 0 : i32
    %dma_start3A_38 = arith.constant 0 : i32
    %dma_start3A_39 = arith.constant 0 : i32
    %dma_start3A_40 = arith.constant 0 : i32
    %dma_start3A_41 = tpu.memref_slice %arg5[%dma_start3A, %dma_start3A_39, %dma_start3A_40] : memref<2x64x128xf32, #tpu.memory_space<vmem>> -> memref<1x64x128xf32, #tpu.memory_space<vmem>>
    %dma_start3A_42 = tpu.memref_squeeze %dma_start3A_41 : memref<1x64x128xf32, #tpu.memory_space<vmem>> -> memref<64x128xf32, #tpu.memory_space<vmem>>
    %dma_start3A_43 = arith.constant 0 : i32
    %dma_start3A_44 = tpu.memref_slice %arg2[%add3A_37, %dma_start3A_43] : memref<16384x128xf32, #tpu.memory_space<hbm>> -> memref<64x128xf32, #tpu.memory_space<hbm>>
    %dma_start3A_45 = tpu.memref_slice %arg9[%dma_start3A_38] : memref<2x!tpu.dma_semaphore, #tpu.memory_space<semaphore_mem>> -> memref<1x!tpu.dma_semaphore, #tpu.memory_space<semaphore_mem>>
    %dma_start3A_46 = tpu.memref_squeeze %dma_start3A_45 : memref<1x!tpu.dma_semaphore, #tpu.memory_space<semaphore_mem>> -> memref<!tpu.dma_semaphore, #tpu.memory_space<semaphore_mem>>
    %dma_start3A_47 = arith.constant 0 : i32
    %dma_start3A_48 = arith.constant 0 : i32
    %dma_start3A_49 = tpu.memref_slice %arg5[%dma_start3A, %dma_start3A_47, %dma_start3A_48] : memref<2x64x128xf32, #tpu.memory_space<vmem>> -> memref<1x64x128xf32, #tpu.memory_space<vmem>>
    %dma_start3A_50 = tpu.memref_squeeze %dma_start3A_49 : memref<1x64x128xf32, #tpu.memory_space<vmem>> -> memref<64x128xf32, #tpu.memory_space<vmem>>
    %dma_start3A_51 = arith.constant 0 : i32
    %dma_start3A_52 = tpu.memref_slice %arg2[%add3A_37, %dma_start3A_51] : memref<16384x128xf32, #tpu.memory_space<hbm>> -> memref<64x128xf32, #tpu.memory_space<hbm>>
    tpu.enqueue_dma source(%dma_start3A_52 : memref<64x128xf32, #tpu.memory_space<hbm>>) target(%dma_start3A_50 : memref<64x128xf32, #tpu.memory_space<vmem>>) target_semaphore(%dma_start3A_46 : memref<!tpu.dma_semaphore, #tpu.memory_space<semaphore_mem>>)
    %dma_start3A_53 = arith.constant 0 : i32
    %dma_start3A_54 = arith.constant 0 : i32
    %dma_start3A_55 = arith.constant 0 : i32
    %dma_start3A_56 = arith.constant 0 : i32
    %dma_start3A_57 = tpu.memref_slice %arg6[%dma_start3A_53, %dma_start3A_55, %dma_start3A_56] : memref<2x64x128xf32, #tpu.memory_space<vmem>> -> memref<1x64x128xf32, #tpu.memory_space<vmem>>
    %dma_start3A_58 = tpu.memref_squeeze %dma_start3A_57 : memref<1x64x128xf32, #tpu.memory_space<vmem>> -> memref<64x128xf32, #tpu.memory_space<vmem>>
    %dma_start3A_59 = arith.constant 0 : i32
    %dma_start3A_60 = tpu.memref_slice %arg3[%add3A_37, %dma_start3A_59] : memref<16384x128xf32, #tpu.memory_space<hbm>> -> memref<64x128xf32, #tpu.memory_space<hbm>>
    %dma_start3A_61 = tpu.memref_slice %arg9[%dma_start3A_54] : memref<2x!tpu.dma_semaphore, #tpu.memory_space<semaphore_mem>> -> memref<1x!tpu.dma_semaphore, #tpu.memory_space<semaphore_mem>>
    %dma_start3A_62 = tpu.memref_squeeze %dma_start3A_61 : memref<1x!tpu.dma_semaphore, #tpu.memory_space<semaphore_mem>> -> memref<!tpu.dma_semaphore, #tpu.memory_space<semaphore_mem>>
    %dma_start3A_63 = arith.constant 0 : i32
    %dma_start3A_64 = arith.constant 0 : i32
    %dma_start3A_65 = tpu.memref_slice %arg6[%dma_start3A_53, %dma_start3A_63, %dma_start3A_64] : memref<2x64x128xf32, #tpu.memory_space<vmem>> -> memref<1x64x128xf32, #tpu.memory_space<vmem>>
    %dma_start3A_66 = tpu.memref_squeeze %dma_start3A_65 : memref<1x64x128xf32, #tpu.memory_space<vmem>> -> memref<64x128xf32, #tpu.memory_space<vmem>>
    %dma_start3A_67 = arith.constant 0 : i32
    %dma_start3A_68 = tpu.memref_slice %arg3[%add3A_37, %dma_start3A_67] : memref<16384x128xf32, #tpu.memory_space<hbm>> -> memref<64x128xf32, #tpu.memory_space<hbm>>
    tpu.enqueue_dma source(%dma_start3A_68 : memref<64x128xf32, #tpu.memory_space<hbm>>) target(%dma_start3A_66 : memref<64x128xf32, #tpu.memory_space<vmem>>) target_semaphore(%dma_start3A_62 : memref<!tpu.dma_semaphore, #tpu.memory_space<semaphore_mem>>)
    %scan3A = arith.constant 0 : i32
    %mul3A_69 = arith.constant 1 : i32
    %mul3A_70 = arith.muli %scan3A, %mul3A_69 : i32
    %add3A_71 = arith.constant 0 : i32
    %add3A_72 = arith.addi %add3A_71, %mul3A_70 : i32
    %lt3A = arith.constant 0 : i32
    %lt3A_73 = arith.cmpi slt, %add3A_72, %lt3A : i32
    %convert_element_type3A = arith.extui %lt3A_73 : i1 to i32
    %cond3A = arith.constant 0 : i32
    %cond3A_74 = arith.cmpi ne, %convert_element_type3A, %cond3A : i32
    scf.if %cond3A_74 {
      %add3A_119 = arith.constant 1 : i32
      %add3A_120 = arith.addi %add3A_72, %add3A_119 : i32
      %and3A_121 = arith.constant 1 : i32
      %and3A_122 = arith.andi %add3A_120, %and3A_121 : i32
      %mul3A_123 = arith.constant 64 : i32
      %mul3A_124 = arith.muli %add3A_120, %mul3A_123 : i32
      %add3A_125 = arith.addi %mul3A_2, %mul3A_124 : i32
      %dma_start3A_126 = arith.constant 0 : i32
      %dma_start3A_127 = arith.constant 0 : i32
      %dma_start3A_128 = tpu.memref_slice %arg5[%and3A_122, %dma_start3A_126, %dma_start3A_127] : memref<2x64x128xf32, #tpu.memory_space<vmem>> -> memref<1x64x128xf32, #tpu.memory_space<vmem>>
      %dma_start3A_129 = tpu.memref_squeeze %dma_start3A_128 : memref<1x64x128xf32, #tpu.memory_space<vmem>> -> memref<64x128xf32, #tpu.memory_space<vmem>>
      %dma_start3A_130 = arith.constant 0 : i32
      %dma_start3A_131 = tpu.memref_slice %arg2[%add3A_125, %dma_start3A_130] : memref<16384x128xf32, #tpu.memory_space<hbm>> -> memref<64x128xf32, #tpu.memory_space<hbm>>
      %dma_start3A_132 = tpu.memref_slice %arg9[%and3A_122] : memref<2x!tpu.dma_semaphore, #tpu.memory_space<semaphore_mem>> -> memref<1x!tpu.dma_semaphore, #tpu.memory_space<semaphore_mem>>
      %dma_start3A_133 = tpu.memref_squeeze %dma_start3A_132 : memref<1x!tpu.dma_semaphore, #tpu.memory_space<semaphore_mem>> -> memref<!tpu.dma_semaphore, #tpu.memory_space<semaphore_mem>>
      %dma_start3A_134 = arith.constant 0 : i32
      %dma_start3A_135 = arith.constant 0 : i32
      %dma_start3A_136 = tpu.memref_slice %arg5[%and3A_122, %dma_start3A_134, %dma_start3A_135] : memref<2x64x128xf32, #tpu.memory_space<vmem>> -> memref<1x64x128xf32, #tpu.memory_space<vmem>>
      %dma_start3A_137 = tpu.memref_squeeze %dma_start3A_136 : memref<1x64x128xf32, #tpu.memory_space<vmem>> -> memref<64x128xf32, #tpu.memory_space<vmem>>
      %dma_start3A_138 = arith.constant 0 : i32
      %dma_start3A_139 = tpu.memref_slice %arg2[%add3A_125, %dma_start3A_138] : memref<16384x128xf32, #tpu.memory_space<hbm>> -> memref<64x128xf32, #tpu.memory_space<hbm>>
      tpu.enqueue_dma source(%dma_start3A_139 : memref<64x128xf32, #tpu.memory_space<hbm>>) target(%dma_start3A_137 : memref<64x128xf32, #tpu.memory_space<vmem>>) target_semaphore(%dma_start3A_133 : memref<!tpu.dma_semaphore, #tpu.memory_space<semaphore_mem>>)
      %dma_start3A_140 = arith.constant 0 : i32
      %dma_start3A_141 = arith.constant 0 : i32
      %dma_start3A_142 = tpu.memref_slice %arg6[%and3A_122, %dma_start3A_140, %dma_start3A_141] : memref<2x64x128xf32, #tpu.memory_space<vmem>> -> memref<1x64x128xf32, #tpu.memory_space<vmem>>
      %dma_start3A_143 = tpu.memref_squeeze %dma_start3A_142 : memref<1x64x128xf32, #tpu.memory_space<vmem>> -> memref<64x128xf32, #tpu.memory_space<vmem>>
      %dma_start3A_144 = arith.constant 0 : i32
      %dma_start3A_145 = tpu.memref_slice %arg3[%add3A_125, %dma_start3A_144] : memref<16384x128xf32, #tpu.memory_space<hbm>> -> memref<64x128xf32, #tpu.memory_space<hbm>>
      %dma_start3A_146 = tpu.memref_slice %arg9[%and3A_122] : memref<2x!tpu.dma_semaphore, #tpu.memory_space<semaphore_mem>> -> memref<1x!tpu.dma_semaphore, #tpu.memory_space<semaphore_mem>>
      %dma_start3A_147 = tpu.memref_squeeze %dma_start3A_146 : memref<1x!tpu.dma_semaphore, #tpu.memory_space<semaphore_mem>> -> memref<!tpu.dma_semaphore, #tpu.memory_space<semaphore_mem>>
      %dma_start3A_148 = arith.constant 0 : i32
      %dma_start3A_149 = arith.constant 0 : i32
      %dma_start3A_150 = tpu.memref_slice %arg6[%and3A_122, %dma_start3A_148, %dma_start3A_149] : memref<2x64x128xf32, #tpu.memory_space<vmem>> -> memref<1x64x128xf32, #tpu.memory_space<vmem>>
      %dma_start3A_151 = tpu.memref_squeeze %dma_start3A_150 : memref<1x64x128xf32, #tpu.memory_space<vmem>> -> memref<64x128xf32, #tpu.memory_space<vmem>>
      %dma_start3A_152 = arith.constant 0 : i32
      %dma_start3A_153 = tpu.memref_slice %arg3[%add3A_125, %dma_start3A_152] : memref<16384x128xf32, #tpu.memory_space<hbm>> -> memref<64x128xf32, #tpu.memory_space<hbm>>
      tpu.enqueue_dma source(%dma_start3A_153 : memref<64x128xf32, #tpu.memory_space<hbm>>) target(%dma_start3A_151 : memref<64x128xf32, #tpu.memory_space<vmem>>) target_semaphore(%dma_start3A_147 : memref<!tpu.dma_semaphore, #tpu.memory_space<semaphore_mem>>)
    } else {
    }
    %and3A_75 = arith.constant 1 : i32
    %and3A_76 = arith.andi %add3A_72, %and3A_75 : i32
    %dma_wait3A = arith.constant 0 : i32
    %dma_wait3A_77 = arith.constant 0 : i32
    %dma_wait3A_78 = tpu.memref_slice %arg5[%and3A_76, %dma_wait3A, %dma_wait3A_77] : memref<2x64x128xf32, #tpu.memory_space<vmem>> -> memref<1x64x128xf32, #tpu.memory_space<vmem>>
    %dma_wait3A_79 = tpu.memref_squeeze %dma_wait3A_78 : memref<1x64x128xf32, #tpu.memory_space<vmem>> -> memref<64x128xf32, #tpu.memory_space<vmem>>
    %dma_wait3A_80 = arith.constant 0 : i32
    %dma_wait3A_81 = arith.constant 0 : i32
    %dma_wait3A_82 = tpu.memref_slice %arg2[%dma_wait3A_80, %dma_wait3A_81] : memref<16384x128xf32, #tpu.memory_space<hbm>> -> memref<64x128xf32, #tpu.memory_space<hbm>>
    %dma_wait3A_83 = tpu.memref_slice %arg9[%and3A_76] : memref<2x!tpu.dma_semaphore, #tpu.memory_space<semaphore_mem>> -> memref<1x!tpu.dma_semaphore, #tpu.memory_space<semaphore_mem>>
    %dma_wait3A_84 = tpu.memref_squeeze %dma_wait3A_83 : memref<1x!tpu.dma_semaphore, #tpu.memory_space<semaphore_mem>> -> memref<!tpu.dma_semaphore, #tpu.memory_space<semaphore_mem>>
    %dma_wait3A_85 = arith.constant 0 : i32
    %dma_wait3A_86 = arith.constant 0 : i32
    %dma_wait3A_87 = tpu.memref_slice %arg5[%and3A_76, %dma_wait3A_85, %dma_wait3A_86] : memref<2x64x128xf32, #tpu.memory_space<vmem>> -> memref<1x64x128xf32, #tpu.memory_space<vmem>>
    %dma_wait3A_88 = tpu.memref_squeeze %dma_wait3A_87 : memref<1x64x128xf32, #tpu.memory_space<vmem>> -> memref<64x128xf32, #tpu.memory_space<vmem>>
    %dma_wait3A_89 = arith.constant 0 : i32
    %dma_wait3A_90 = arith.constant 0 : i32
    %dma_wait3A_91 = tpu.memref_slice %arg2[%dma_wait3A_89, %dma_wait3A_90] : memref<16384x128xf32, #tpu.memory_space<hbm>> -> memref<64x128xf32, #tpu.memory_space<hbm>>
    tpu.wait_dma2 semaphore(%dma_wait3A_84 : memref<!tpu.dma_semaphore, #tpu.memory_space<semaphore_mem>>) src(%dma_wait3A_91 : memref<64x128xf32, #tpu.memory_space<hbm>>) dst(%dma_wait3A_88 : memref<64x128xf32, #tpu.memory_space<vmem>>)
    %dma_wait3A_92 = arith.constant 0 : i32
    %dma_wait3A_93 = arith.constant 0 : i32
    %dma_wait3A_94 = tpu.memref_slice %arg6[%and3A_76, %dma_wait3A_92, %dma_wait3A_93] : memref<2x64x128xf32, #tpu.memory_space<vmem>> -> memref<1x64x128xf32, #tpu.memory_space<vmem>>
    %dma_wait3A_95 = tpu.memref_squeeze %dma_wait3A_94 : memref<1x64x128xf32, #tpu.memory_space<vmem>> -> memref<64x128xf32, #tpu.memory_space<vmem>>
    %dma_wait3A_96 = arith.constant 0 : i32
    %dma_wait3A_97 = arith.constant 0 : i32
    %dma_wait3A_98 = tpu.memref_slice %arg3[%dma_wait3A_96, %dma_wait3A_97] : memref<16384x128xf32, #tpu.memory_space<hbm>> -> memref<64x128xf32, #tpu.memory_space<hbm>>
    %dma_wait3A_99 = tpu.memref_slice %arg9[%and3A_76] : memref<2x!tpu.dma_semaphore, #tpu.memory_space<semaphore_mem>> -> memref<1x!tpu.dma_semaphore, #tpu.memory_space<semaphore_mem>>
    %dma_wait3A_100 = tpu.memref_squeeze %dma_wait3A_99 : memref<1x!tpu.dma_semaphore, #tpu.memory_space<semaphore_mem>> -> memref<!tpu.dma_semaphore, #tpu.memory_space<semaphore_mem>>
    %dma_wait3A_101 = arith.constant 0 : i32
    %dma_wait3A_102 = arith.constant 0 : i32
    %dma_wait3A_103 = tpu.memref_slice %arg6[%and3A_76, %dma_wait3A_101, %dma_wait3A_102] : memref<2x64x128xf32, #tpu.memory_space<vmem>> -> memref<1x64x128xf32, #tpu.memory_space<vmem>>
    %dma_wait3A_104 = tpu.memref_squeeze %dma_wait3A_103 : memref<1x64x128xf32, #tpu.memory_space<vmem>> -> memref<64x128xf32, #tpu.memory_space<vmem>>
    %dma_wait3A_105 = arith.constant 0 : i32
    %dma_wait3A_106 = arith.constant 0 : i32
    %dma_wait3A_107 = tpu.memref_slice %arg3[%dma_wait3A_105, %dma_wait3A_106] : memref<16384x128xf32, #tpu.memory_space<hbm>> -> memref<64x128xf32, #tpu.memory_space<hbm>>
    tpu.wait_dma2 semaphore(%dma_wait3A_100 : memref<!tpu.dma_semaphore, #tpu.memory_space<semaphore_mem>>) src(%dma_wait3A_107 : memref<64x128xf32, #tpu.memory_space<hbm>>) dst(%dma_wait3A_104 : memref<64x128xf32, #tpu.memory_space<vmem>>)
    %scan3A_108 = arith.constant 0 : i32
    %scan3A_109 = arith.constant 64 : i32
    %scan3A_110 = arith.addi %scan3A_108, %scan3A_109 : i32
    %scan3A_111 = arith.constant 1 : i32
    scf.for %scan3A_119 = %scan3A_108 to %scan3A_110 step %scan3A_111  : i32 {
      %mul3A_120 = arith.constant 1 : i32
      %mul3A_121 = arith.muli %scan3A_119, %mul3A_120 : i32
      %add3A_122 = arith.constant 0 : i32
      %add3A_123 = arith.addi %add3A_122, %mul3A_121 : i32
      %get3A = arith.index_cast %and3A_76 : i32 to index
      %get3A_124 = arith.index_cast %add3A_123 : i32 to index
      %get3A_125 = arith.constant 0 : index
      %get3A_126 = tpu.vector_load %arg5[%get3A, %get3A_124, %get3A_125] {strides = array<i32>} : memref<2x64x128xf32, #tpu.memory_space<vmem>>, vector<1x1x16xf32>,
      %get3A_127 = vector.shape_cast %get3A_126 : vector<1x1x16xf32> to vector<16xf32>
      %get3A_128 = arith.index_cast %and3A_76 : i32 to index
      %get3A_129 = arith.index_cast %add3A_123 : i32 to index
      %get3A_130 = arith.constant 0 : index
      %get3A_131 = tpu.vector_load %arg6[%get3A_128, %get3A_129, %get3A_130] {strides = array<i32>} : memref<2x64x128xf32, #tpu.memory_space<vmem>>, vector<1x1x16xf32>,
      %get3A_132 = vector.shape_cast %get3A_131 : vector<1x1x16xf32> to vector<16xf32>
      %mul3A_133 = arith.mulf %get3A_127, %get3A_132 : vector<16xf32>
      %get3A_134 = arith.index_cast %and3A_76 : i32 to index
      %get3A_135 = arith.index_cast %add3A_123 : i32 to index
      %get3A_136 = arith.constant 16 : index
      %get3A_137 = tpu.vector_load %arg5[%get3A_134, %get3A_135, %get3A_136] {strides = array<i32>} : memref<2x64x128xf32, #tpu.memory_space<vmem>>, vector<1x1x16xf32>,
      %get3A_138 = vector.shape_cast %get3A_137 : vector<1x1x16xf32> to vector<16xf32>
      %get3A_139 = arith.index_cast %and3A_76 : i32 to index
      %get3A_140 = arith.index_cast %add3A_123 : i32 to index
      %get3A_141 = arith.constant 16 : index
      %get3A_142 = tpu.vector_load %arg6[%get3A_139, %get3A_140, %get3A_141] {strides = array<i32>} : memref<2x64x128xf32, #tpu.memory_space<vmem>>, vector<1x1x16xf32>,
      %get3A_143 = vector.shape_cast %get3A_142 : vector<1x1x16xf32> to vector<16xf32>
      %mul3A_144 = arith.mulf %get3A_138, %get3A_143 : vector<16xf32>
      %get3A_145 = arith.index_cast %and3A_76 : i32 to index
      %get3A_146 = arith.index_cast %add3A_123 : i32 to index
      %get3A_147 = arith.constant 32 : index
      %get3A_148 = tpu.vector_load %arg5[%get3A_145, %get3A_146, %get3A_147] {strides = array<i32>} : memref<2x64x128xf32, #tpu.memory_space<vmem>>, vector<1x1x16xf32>,
      %get3A_149 = vector.shape_cast %get3A_148 : vector<1x1x16xf32> to vector<16xf32>
      %get3A_150 = arith.index_cast %and3A_76 : i32 to index
      %get3A_151 = arith.index_cast %add3A_123 : i32 to index
      %get3A_152 = arith.constant 32 : index
      %get3A_153 = tpu.vector_load %arg6[%get3A_150, %get3A_151, %get3A_152] {strides = array<i32>} : memref<2x64x128xf32, #tpu.memory_space<vmem>>, vector<1x1x16xf32>,
      %get3A_154 = vector.shape_cast %get3A_153 : vector<1x1x16xf32> to vector<16xf32>
      %mul3A_155 = arith.mulf %get3A_149, %get3A_154 : vector<16xf32>
      %get3A_156 = arith.index_cast %and3A_76 : i32 to index
      %get3A_157 = arith.index_cast %add3A_123 : i32 to index
      %get3A_158 = arith.constant 48 : index
      %get3A_159 = tpu.vector_load %arg5[%get3A_156, %get3A_157, %get3A_158] {strides = array<i32>} : memref<2x64x128xf32, #tpu.memory_space<vmem>>, vector<1x1x16xf32>,
      %get3A_160 = vector.shape_cast %get3A_159 : vector<1x1x16xf32> to vector<16xf32>
      %get3A_161 = arith.index_cast %and3A_76 : i32 to index
      %get3A_162 = arith.index_cast %add3A_123 : i32 to index
      %get3A_163 = arith.constant 48 : index
      %get3A_164 = tpu.vector_load %arg6[%get3A_161, %get3A_162, %get3A_163] {strides = array<i32>} : memref<2x64x128xf32, #tpu.memory_space<vmem>>, vector<1x1x16xf32>,
      %get3A_165 = vector.shape_cast %get3A_164 : vector<1x1x16xf32> to vector<16xf32>
      %mul3A_166 = arith.mulf %get3A_160, %get3A_165 : vector<16xf32>
      %get3A_167 = arith.index_cast %and3A_76 : i32 to index
      %get3A_168 = arith.index_cast %add3A_123 : i32 to index
      %get3A_169 = arith.constant 64 : index
      %get3A_170 = tpu.vector_load %arg5[%get3A_167, %get3A_168, %get3A_169] {strides = array<i32>} : memref<2x64x128xf32, #tpu.memory_space<vmem>>, vector<1x1x16xf32>,
      %get3A_171 = vector.shape_cast %get3A_170 : vector<1x1x16xf32> to vector<16xf32>
      %get3A_172 = arith.index_cast %and3A_76 : i32 to index
      %get3A_173 = arith.index_cast %add3A_123 : i32 to index
      %get3A_174 = arith.constant 64 : index
      %get3A_175 = tpu.vector_load %arg6[%get3A_172, %get3A_173, %get3A_174] {strides = array<i32>} : memref<2x64x128xf32, #tpu.memory_space<vmem>>, vector<1x1x16xf32>,
      %get3A_176 = vector.shape_cast %get3A_175 : vector<1x1x16xf32> to vector<16xf32>
      %mul3A_177 = arith.mulf %get3A_171, %get3A_176 : vector<16xf32>
      %get3A_178 = arith.index_cast %and3A_76 : i32 to index
      %get3A_179 = arith.index_cast %add3A_123 : i32 to index
      %get3A_180 = arith.constant 80 : index
      %get3A_181 = tpu.vector_load %arg5[%get3A_178, %get3A_179, %get3A_180] {strides = array<i32>} : memref<2x64x128xf32, #tpu.memory_space<vmem>>, vector<1x1x16xf32>,
      %get3A_182 = vector.shape_cast %get3A_181 : vector<1x1x16xf32> to vector<16xf32>
      %get3A_183 = arith.index_cast %and3A_76 : i32 to index
      %get3A_184 = arith.index_cast %add3A_123 : i32 to index
      %get3A_185 = arith.constant 80 : index
      %get3A_186 = tpu.vector_load %arg6[%get3A_183, %get3A_184, %get3A_185] {strides = array<i32>} : memref<2x64x128xf32, #tpu.memory_space<vmem>>, vector<1x1x16xf32>,
      %get3A_187 = vector.shape_cast %get3A_186 : vector<1x1x16xf32> to vector<16xf32>
      %mul3A_188 = arith.mulf %get3A_182, %get3A_187 : vector<16xf32>
      %get3A_189 = arith.index_cast %and3A_76 : i32 to index
      %get3A_190 = arith.index_cast %add3A_123 : i32 to index
      %get3A_191 = arith.constant 96 : index
      %get3A_192 = tpu.vector_load %arg5[%get3A_189, %get3A_190, %get3A_191] {strides = array<i32>} : memref<2x64x128xf32, #tpu.memory_space<vmem>>, vector<1x1x16xf32>,
      %get3A_193 = vector.shape_cast %get3A_192 : vector<1x1x16xf32> to vector<16xf32>
      %get3A_194 = arith.index_cast %and3A_76 : i32 to index
      %get3A_195 = arith.index_cast %add3A_123 : i32 to index
      %get3A_196 = arith.constant 96 : index
      %get3A_197 = tpu.vector_load %arg6[%get3A_194, %get3A_195, %get3A_196] {strides = array<i32>} : memref<2x64x128xf32, #tpu.memory_space<vmem>>, vector<1x1x16xf32>,
      %get3A_198 = vector.shape_cast %get3A_197 : vector<1x1x16xf32> to vector<16xf32>
      %mul3A_199 = arith.mulf %get3A_193, %get3A_198 : vector<16xf32>
      %get3A_200 = arith.index_cast %and3A_76 : i32 to index
      %get3A_201 = arith.index_cast %add3A_123 : i32 to index
      %get3A_202 = arith.constant 112 : index
      %get3A_203 = tpu.vector_load %arg5[%get3A_200, %get3A_201, %get3A_202] {strides = array<i32>} : memref<2x64x128xf32, #tpu.memory_space<vmem>>, vector<1x1x16xf32>,
      %get3A_204 = vector.shape_cast %get3A_203 : vector<1x1x16xf32> to vector<16xf32>
      %get3A_205 = arith.index_cast %and3A_76 : i32 to index
      %get3A_206 = arith.index_cast %add3A_123 : i32 to index
      %get3A_207 = arith.constant 112 : index
      %get3A_208 = tpu.vector_load %arg6[%get3A_205, %get3A_206, %get3A_207] {strides = array<i32>} : memref<2x64x128xf32, #tpu.memory_space<vmem>>, vector<1x1x16xf32>,
      %get3A_209 = vector.shape_cast %get3A_208 : vector<1x1x16xf32> to vector<16xf32>
      %mul3A_210 = arith.mulf %get3A_204, %get3A_209 : vector<16xf32>
      %add3A_211 = arith.addf %mul3A_133, %mul3A_144 : vector<16xf32>
      %add3A_212 = arith.addf %mul3A_155, %mul3A_166 : vector<16xf32>
      %add3A_213 = arith.addf %mul3A_177, %mul3A_188 : vector<16xf32>
      %add3A_214 = arith.addf %mul3A_199, %mul3A_210 : vector<16xf32>
      %add3A_215 = arith.addf %add3A_211, %add3A_212 : vector<16xf32>
      %add3A_216 = arith.addf %add3A_213, %add3A_214 : vector<16xf32>
      %add3A_217 = arith.addf %add3A_215, %add3A_216 : vector<16xf32>
      %swap3A = arith.index_cast %add3A_123 : i32 to index
      %swap3A_218 = arith.constant 0 : index
      %swap3A_219 = tpu.vector_load %arg7[%swap3A, %swap3A_218] {strides = array<i32>} : memref<64x16xf32, #tpu.memory_space<vmem>>, vector<1x16xf32>,
      %swap3A_220 = vector.shape_cast %swap3A_219 : vector<1x16xf32> to vector<16xf32>
      %swap3A_221 = vector.shape_cast %add3A_217 : vector<16xf32> to vector<1x16xf32>
      tpu.vector_store %arg7[%swap3A, %swap3A_218], %swap3A_221 {strides = array<i32>} : memref<64x16xf32, #tpu.memory_space<vmem>>, vector<1x16xf32>,
    }
    %scan3A_112 = arith.constant 64 : i32
    %scan3A_113 = arith.constant 0 : i32
    %scan3A_114 = arith.constant 4 : i32
    %scan3A_115 = arith.addi %scan3A_113, %scan3A_114 : i32
    %scan3A_116 = arith.constant 1 : i32
    scf.for %scan3A_119 = %scan3A_113 to %scan3A_115 step %scan3A_116  : i32 {
      %mul3A_120 = arith.constant 1 : i32
      %mul3A_121 = arith.muli %scan3A_119, %mul3A_120 : i32
      %add3A_122 = arith.constant 0 : i32
      %add3A_123 = arith.addi %add3A_122, %mul3A_121 : i32
      %mul3A_124 = arith.constant 16 : i32
      %mul3A_125 = arith.muli %add3A_123, %mul3A_124 : i32
      %add3A_126 = arith.constant 0 : i32
      %add3A_127 = arith.addi %mul3A_125, %add3A_126 : i32
      %get3A = arith.index_cast %add3A_127 : i32 to index
      %get3A_128 = arith.constant 0 : index
      %get3A_129 = tpu.vector_load %arg7[%get3A, %get3A_128] {strides = array<i32>} : memref<64x16xf32, #tpu.memory_space<vmem>>, vector<1x16xf32>,
      %get3A_130 = vector.shape_cast %get3A_129 : vector<1x16xf32> to vector<16xf32>
      %mul3A_131 = arith.constant 16 : i32
      %mul3A_132 = arith.muli %add3A_123, %mul3A_131 : i32
      %add3A_133 = arith.constant 8 : i32
      %add3A_134 = arith.addi %mul3A_132, %add3A_133 : i32
      %get3A_135 = arith.index_cast %add3A_134 : i32 to index
      %get3A_136 = arith.constant 0 : index
      %get3A_137 = tpu.vector_load %arg7[%get3A_135, %get3A_136] {strides = array<i32>} : memref<64x16xf32, #tpu.memory_space<vmem>>, vector<1x16xf32>,
      %get3A_138 = vector.shape_cast %get3A_137 : vector<1x16xf32> to vector<16xf32>
      %broadcast_in_dim3A = vector.shape_cast %xor3A_4 : vector<16xi32> to vector<16x1xi32>
      %gather3A = vector.shape_cast %broadcast_in_dim3A : vector<16x1xi32> to vector<16xi32>
      %gather3A_139 = tpu.dynamic_gather %get3A_130[%gather3A] in [0] : vector<16xf32>, vector<16xi32> -> vector<16xf32>
      %add3A_140 = arith.addf %get3A_130, %gather3A_139 : vector<16xf32>
      %broadcast_in_dim3A_141 = vector.shape_cast %xor3A_4 : vector<16xi32> to vector<16x1xi32>
      %gather3A_142 = vector.shape_cast %broadcast_in_dim3A_141 : vector<16x1xi32> to vector<16xi32>
      %gather3A_143 = tpu.dynamic_gather %get3A_138[%gather3A_142] in [0] : vector<16xf32>, vector<16xi32> -> vector<16xf32>
      %add3A_144 = arith.addf %get3A_138, %gather3A_143 : vector<16xf32>
      %select_n3A = arith.select %eq3A_17, %add3A_140, %add3A_144 : vector<16xi1>, vector<16xf32>
      %mul3A_145 = arith.constant 16 : i32
      %mul3A_146 = arith.muli %add3A_123, %mul3A_145 : i32
      %add3A_147 = arith.constant 4 : i32
      %add3A_148 = arith.addi %mul3A_146, %add3A_147 : i32
      %get3A_149 = arith.index_cast %add3A_148 : i32 to index
      %get3A_150 = arith.constant 0 : index
      %get3A_151 = tpu.vector_load %arg7[%get3A_149, %get3A_150] {strides = array<i32>} : memref<64x16xf32, #tpu.memory_space<vmem>>, vector<1x16xf32>,
      %get3A_152 = vector.shape_cast %get3A_151 : vector<1x16xf32> to vector<16xf32>
      %mul3A_153 = arith.constant 16 : i32
      %mul3A_154 = arith.muli %add3A_123, %mul3A_153 : i32
      %add3A_155 = arith.constant 12 : i32
      %add3A_156 = arith.addi %mul3A_154, %add3A_155 : i32
      %get3A_157 = arith.index_cast %add3A_156 : i32 to index
      %get3A_158 = arith.constant 0 : index
      %get3A_159 = tpu.vector_load %arg7[%get3A_157, %get3A_158] {strides = array<i32>} : memref<64x16xf32, #tpu.memory_space<vmem>>, vector<1x16xf32>,
      %get3A_160 = vector.shape_cast %get3A_159 : vector<1x16xf32> to vector<16xf32>
      %broadcast_in_dim3A_161 = vector.shape_cast %xor3A_4 : vector<16xi32> to vector<16x1xi32>
      %gather3A_162 = vector.shape_cast %broadcast_in_dim3A_161 : vector<16x1xi32> to vector<16xi32>
      %gather3A_163 = tpu.dynamic_gather %get3A_152[%gather3A_162] in [0] : vector<16xf32>, vector<16xi32> -> vector<16xf32>
      %add3A_164 = arith.addf %get3A_152, %gather3A_163 : vector<16xf32>
      %broadcast_in_dim3A_165 = vector.shape_cast %xor3A_4 : vector<16xi32> to vector<16x1xi32>
      %gather3A_166 = vector.shape_cast %broadcast_in_dim3A_165 : vector<16x1xi32> to vector<16xi32>
      %gather3A_167 = tpu.dynamic_gather %get3A_160[%gather3A_166] in [0] : vector<16xf32>, vector<16xi32> -> vector<16xf32>
      %add3A_168 = arith.addf %get3A_160, %gather3A_167 : vector<16xf32>
      %select_n3A_169 = arith.select %eq3A_17, %add3A_164, %add3A_168 : vector<16xi1>, vector<16xf32>
      %broadcast_in_dim3A_170 = vector.shape_cast %xor3A_7 : vector<16xi32> to vector<16x1xi32>
      %gather3A_171 = vector.shape_cast %broadcast_in_dim3A_170 : vector<16x1xi32> to vector<16xi32>
      %gather3A_172 = tpu.dynamic_gather %select_n3A[%gather3A_171] in [0] : vector<16xf32>, vector<16xi32> -> vector<16xf32>
      %add3A_173 = arith.addf %select_n3A, %gather3A_172 : vector<16xf32>
      %broadcast_in_dim3A_174 = vector.shape_cast %xor3A_7 : vector<16xi32> to vector<16x1xi32>
      %gather3A_175 = vector.shape_cast %broadcast_in_dim3A_174 : vector<16x1xi32> to vector<16xi32>
      %gather3A_176 = tpu.dynamic_gather %select_n3A_169[%gather3A_175] in [0] : vector<16xf32>, vector<16xi32> -> vector<16xf32>
      %add3A_177 = arith.addf %select_n3A_169, %gather3A_176 : vector<16xf32>
      %select_n3A_178 = arith.select %eq3A_23, %add3A_173, %add3A_177 : vector<16xi1>, vector<16xf32>
      %mul3A_179 = arith.constant 16 : i32
      %mul3A_180 = arith.muli %add3A_123, %mul3A_179 : i32
      %add3A_181 = arith.constant 2 : i32
      %add3A_182 = arith.addi %mul3A_180, %add3A_181 : i32
      %get3A_183 = arith.index_cast %add3A_182 : i32 to index
      %get3A_184 = arith.constant 0 : index
      %get3A_185 = tpu.vector_load %arg7[%get3A_183, %get3A_184] {strides = array<i32>} : memref<64x16xf32, #tpu.memory_space<vmem>>, vector<1x16xf32>,
      %get3A_186 = vector.shape_cast %get3A_185 : vector<1x16xf32> to vector<16xf32>
      %mul3A_187 = arith.constant 16 : i32
      %mul3A_188 = arith.muli %add3A_123, %mul3A_187 : i32
      %add3A_189 = arith.constant 10 : i32
      %add3A_190 = arith.addi %mul3A_188, %add3A_189 : i32
      %get3A_191 = arith.index_cast %add3A_190 : i32 to index
      %get3A_192 = arith.constant 0 : index
      %get3A_193 = tpu.vector_load %arg7[%get3A_191, %get3A_192] {strides = array<i32>} : memref<64x16xf32, #tpu.memory_space<vmem>>, vector<1x16xf32>,
      %get3A_194 = vector.shape_cast %get3A_193 : vector<1x16xf32> to vector<16xf32>
      %broadcast_in_dim3A_195 = vector.shape_cast %xor3A_4 : vector<16xi32> to vector<16x1xi32>
      %gather3A_196 = vector.shape_cast %broadcast_in_dim3A_195 : vector<16x1xi32> to vector<16xi32>
      %gather3A_197 = tpu.dynamic_gather %get3A_186[%gather3A_196] in [0] : vector<16xf32>, vector<16xi32> -> vector<16xf32>
      %add3A_198 = arith.addf %get3A_186, %gather3A_197 : vector<16xf32>
      %broadcast_in_dim3A_199 = vector.shape_cast %xor3A_4 : vector<16xi32> to vector<16x1xi32>
      %gather3A_200 = vector.shape_cast %broadcast_in_dim3A_199 : vector<16x1xi32> to vector<16xi32>
      %gather3A_201 = tpu.dynamic_gather %get3A_194[%gather3A_200] in [0] : vector<16xf32>, vector<16xi32> -> vector<16xf32>
      %add3A_202 = arith.addf %get3A_194, %gather3A_201 : vector<16xf32>
      %select_n3A_203 = arith.select %eq3A_17, %add3A_198, %add3A_202 : vector<16xi1>, vector<16xf32>
      %mul3A_204 = arith.constant 16 : i32
      %mul3A_205 = arith.muli %add3A_123, %mul3A_204 : i32
      %add3A_206 = arith.constant 6 : i32
      %add3A_207 = arith.addi %mul3A_205, %add3A_206 : i32
      %get3A_208 = arith.index_cast %add3A_207 : i32 to index
      %get3A_209 = arith.constant 0 : index
      %get3A_210 = tpu.vector_load %arg7[%get3A_208, %get3A_209] {strides = array<i32>} : memref<64x16xf32, #tpu.memory_space<vmem>>, vector<1x16xf32>,
      %get3A_211 = vector.shape_cast %get3A_210 : vector<1x16xf32> to vector<16xf32>
      %mul3A_212 = arith.constant 16 : i32
      %mul3A_213 = arith.muli %add3A_123, %mul3A_212 : i32
      %add3A_214 = arith.constant 14 : i32
      %add3A_215 = arith.addi %mul3A_213, %add3A_214 : i32
      %get3A_216 = arith.index_cast %add3A_215 : i32 to index
      %get3A_217 = arith.constant 0 : index
      %get3A_218 = tpu.vector_load %arg7[%get3A_216, %get3A_217] {strides = array<i32>} : memref<64x16xf32, #tpu.memory_space<vmem>>, vector<1x16xf32>,
      %get3A_219 = vector.shape_cast %get3A_218 : vector<1x16xf32> to vector<16xf32>
      %broadcast_in_dim3A_220 = vector.shape_cast %xor3A_4 : vector<16xi32> to vector<16x1xi32>
      %gather3A_221 = vector.shape_cast %broadcast_in_dim3A_220 : vector<16x1xi32> to vector<16xi32>
      %gather3A_222 = tpu.dynamic_gather %get3A_211[%gather3A_221] in [0] : vector<16xf32>, vector<16xi32> -> vector<16xf32>
      %add3A_223 = arith.addf %get3A_211, %gather3A_222 : vector<16xf32>
      %broadcast_in_dim3A_224 = vector.shape_cast %xor3A_4 : vector<16xi32> to vector<16x1xi32>
      %gather3A_225 = vector.shape_cast %broadcast_in_dim3A_224 : vector<16x1xi32> to vector<16xi32>
      %gather3A_226 = tpu.dynamic_gather %get3A_219[%gather3A_225] in [0] : vector<16xf32>, vector<16xi32> -> vector<16xf32>
      %add3A_227 = arith.addf %get3A_219, %gather3A_226 : vector<16xf32>
      %select_n3A_228 = arith.select %eq3A_17, %add3A_223, %add3A_227 : vector<16xi1>, vector<16xf32>
      %broadcast_in_dim3A_229 = vector.shape_cast %xor3A_7 : vector<16xi32> to vector<16x1xi32>
      %gather3A_230 = vector.shape_cast %broadcast_in_dim3A_229 : vector<16x1xi32> to vector<16xi32>
      %gather3A_231 = tpu.dynamic_gather %select_n3A_203[%gather3A_230] in [0] : vector<16xf32>, vector<16xi32> -> vector<16xf32>
      %add3A_232 = arith.addf %select_n3A_203, %gather3A_231 : vector<16xf32>
      %broadcast_in_dim3A_233 = vector.shape_cast %xor3A_7 : vector<16xi32> to vector<16x1xi32>
      %gather3A_234 = vector.shape_cast %broadcast_in_dim3A_233 : vector<16x1xi32> to vector<16xi32>
      %gather3A_235 = tpu.dynamic_gather %select_n3A_228[%gather3A_234] in [0] : vector<16xf32>, vector<16xi32> -> vector<16xf32>
      %add3A_236 = arith.addf %select_n3A_228, %gather3A_235 : vector<16xf32>
      %select_n3A_237 = arith.select %eq3A_23, %add3A_232, %add3A_236 : vector<16xi1>, vector<16xf32>
      %broadcast_in_dim3A_238 = vector.shape_cast %xor3A_10 : vector<16xi32> to vector<16x1xi32>
      %gather3A_239 = vector.shape_cast %broadcast_in_dim3A_238 : vector<16x1xi32> to vector<16xi32>
      %gather3A_240 = tpu.dynamic_gather %select_n3A_178[%gather3A_239] in [0] : vector<16xf32>, vector<16xi32> -> vector<16xf32>
      %add3A_241 = arith.addf %select_n3A_178, %gather3A_240 : vector<16xf32>
      %broadcast_in_dim3A_242 = vector.shape_cast %xor3A_10 : vector<16xi32> to vector<16x1xi32>
      %gather3A_243 = vector.shape_cast %broadcast_in_dim3A_242 : vector<16x1xi32> to vector<16xi32>
      %gather3A_244 = tpu.dynamic_gather %select_n3A_237[%gather3A_243] in [0] : vector<16xf32>, vector<16xi32> -> vector<16xf32>
      %add3A_245 = arith.addf %select_n3A_237, %gather3A_244 : vector<16xf32>
      %select_n3A_246 = arith.select %eq3A_29, %add3A_241, %add3A_245 : vector<16xi1>, vector<16xf32>
      %mul3A_247 = arith.constant 16 : i32
      %mul3A_248 = arith.muli %add3A_123, %mul3A_247 : i32
      %add3A_249 = arith.constant 1 : i32
      %add3A_250 = arith.addi %mul3A_248, %add3A_249 : i32
      %get3A_251 = arith.index_cast %add3A_250 : i32 to index
      %get3A_252 = arith.constant 0 : index
      %get3A_253 = tpu.vector_load %arg7[%get3A_251, %get3A_252] {strides = array<i32>} : memref<64x16xf32, #tpu.memory_space<vmem>>, vector<1x16xf32>,
      %get3A_254 = vector.shape_cast %get3A_253 : vector<1x16xf32> to vector<16xf32>
      %mul3A_255 = arith.constant 16 : i32
      %mul3A_256 = arith.muli %add3A_123, %mul3A_255 : i32
      %add3A_257 = arith.constant 9 : i32
      %add3A_258 = arith.addi %mul3A_256, %add3A_257 : i32
      %get3A_259 = arith.index_cast %add3A_258 : i32 to index
      %get3A_260 = arith.constant 0 : index
      %get3A_261 = tpu.vector_load %arg7[%get3A_259, %get3A_260] {strides = array<i32>} : memref<64x16xf32, #tpu.memory_space<vmem>>, vector<1x16xf32>,
      %get3A_262 = vector.shape_cast %get3A_261 : vector<1x16xf32> to vector<16xf32>
      %broadcast_in_dim3A_263 = vector.shape_cast %xor3A_4 : vector<16xi32> to vector<16x1xi32>
      %gather3A_264 = vector.shape_cast %broadcast_in_dim3A_263 : vector<16x1xi32> to vector<16xi32>
      %gather3A_265 = tpu.dynamic_gather %get3A_254[%gather3A_264] in [0] : vector<16xf32>, vector<16xi32> -> vector<16xf32>
      %add3A_266 = arith.addf %get3A_254, %gather3A_265 : vector<16xf32>
      %broadcast_in_dim3A_267 = vector.shape_cast %xor3A_4 : vector<16xi32> to vector<16x1xi32>
      %gather3A_268 = vector.shape_cast %broadcast_in_dim3A_267 : vector<16x1xi32> to vector<16xi32>
      %gather3A_269 = tpu.dynamic_gather %get3A_262[%gather3A_268] in [0] : vector<16xf32>, vector<16xi32> -> vector<16xf32>
      %add3A_270 = arith.addf %get3A_262, %gather3A_269 : vector<16xf32>
      %select_n3A_271 = arith.select %eq3A_17, %add3A_266, %add3A_270 : vector<16xi1>, vector<16xf32>
      %mul3A_272 = arith.constant 16 : i32
      %mul3A_273 = arith.muli %add3A_123, %mul3A_272 : i32
      %add3A_274 = arith.constant 5 : i32
      %add3A_275 = arith.addi %mul3A_273, %add3A_274 : i32
      %get3A_276 = arith.index_cast %add3A_275 : i32 to index
      %get3A_277 = arith.constant 0 : index
      %get3A_278 = tpu.vector_load %arg7[%get3A_276, %get3A_277] {strides = array<i32>} : memref<64x16xf32, #tpu.memory_space<vmem>>, vector<1x16xf32>,
      %get3A_279 = vector.shape_cast %get3A_278 : vector<1x16xf32> to vector<16xf32>
      %mul3A_280 = arith.constant 16 : i32
      %mul3A_281 = arith.muli %add3A_123, %mul3A_280 : i32
      %add3A_282 = arith.constant 13 : i32
      %add3A_283 = arith.addi %mul3A_281, %add3A_282 : i32
      %get3A_284 = arith.index_cast %add3A_283 : i32 to index
      %get3A_285 = arith.constant 0 : index
      %get3A_286 = tpu.vector_load %arg7[%get3A_284, %get3A_285] {strides = array<i32>} : memref<64x16xf32, #tpu.memory_space<vmem>>, vector<1x16xf32>,
      %get3A_287 = vector.shape_cast %get3A_286 : vector<1x16xf32> to vector<16xf32>
      %broadcast_in_dim3A_288 = vector.shape_cast %xor3A_4 : vector<16xi32> to vector<16x1xi32>
      %gather3A_289 = vector.shape_cast %broadcast_in_dim3A_288 : vector<16x1xi32> to vector<16xi32>
      %gather3A_290 = tpu.dynamic_gather %get3A_279[%gather3A_289] in [0] : vector<16xf32>, vector<16xi32> -> vector<16xf32>
      %add3A_291 = arith.addf %get3A_279, %gather3A_290 : vector<16xf32>
      %broadcast_in_dim3A_292 = vector.shape_cast %xor3A_4 : vector<16xi32> to vector<16x1xi32>
      %gather3A_293 = vector.shape_cast %broadcast_in_dim3A_292 : vector<16x1xi32> to vector<16xi32>
      %gather3A_294 = tpu.dynamic_gather %get3A_287[%gather3A_293] in [0] : vector<16xf32>, vector<16xi32> -> vector<16xf32>
      %add3A_295 = arith.addf %get3A_287, %gather3A_294 : vector<16xf32>
      %select_n3A_296 = arith.select %eq3A_17, %add3A_291, %add3A_295 : vector<16xi1>, vector<16xf32>
      %broadcast_in_dim3A_297 = vector.shape_cast %xor3A_7 : vector<16xi32> to vector<16x1xi32>
      %gather3A_298 = vector.shape_cast %broadcast_in_dim3A_297 : vector<16x1xi32> to vector<16xi32>
      %gather3A_299 = tpu.dynamic_gather %select_n3A_271[%gather3A_298] in [0] : vector<16xf32>, vector<16xi32> -> vector<16xf32>
      %add3A_300 = arith.addf %select_n3A_271, %gather3A_299 : vector<16xf32>
      %broadcast_in_dim3A_301 = vector.shape_cast %xor3A_7 : vector<16xi32> to vector<16x1xi32>
      %gather3A_302 = vector.shape_cast %broadcast_in_dim3A_301 : vector<16x1xi32> to vector<16xi32>
      %gather3A_303 = tpu.dynamic_gather %select_n3A_296[%gather3A_302] in [0] : vector<16xf32>, vector<16xi32> -> vector<16xf32>
      %add3A_304 = arith.addf %select_n3A_296, %gather3A_303 : vector<16xf32>
      %select_n3A_305 = arith.select %eq3A_23, %add3A_300, %add3A_304 : vector<16xi1>, vector<16xf32>
      %mul3A_306 = arith.constant 16 : i32
      %mul3A_307 = arith.muli %add3A_123, %mul3A_306 : i32
      %add3A_308 = arith.constant 3 : i32
      %add3A_309 = arith.addi %mul3A_307, %add3A_308 : i32
      %get3A_310 = arith.index_cast %add3A_309 : i32 to index
      %get3A_311 = arith.constant 0 : index
      %get3A_312 = tpu.vector_load %arg7[%get3A_310, %get3A_311] {strides = array<i32>} : memref<64x16xf32, #tpu.memory_space<vmem>>, vector<1x16xf32>,
      %get3A_313 = vector.shape_cast %get3A_312 : vector<1x16xf32> to vector<16xf32>
      %mul3A_314 = arith.constant 16 : i32
      %mul3A_315 = arith.muli %add3A_123, %mul3A_314 : i32
      %add3A_316 = arith.constant 11 : i32
      %add3A_317 = arith.addi %mul3A_315, %add3A_316 : i32
      %get3A_318 = arith.index_cast %add3A_317 : i32 to index
      %get3A_319 = arith.constant 0 : index
      %get3A_320 = tpu.vector_load %arg7[%get3A_318, %get3A_319] {strides = array<i32>} : memref<64x16xf32, #tpu.memory_space<vmem>>, vector<1x16xf32>,
      %get3A_321 = vector.shape_cast %get3A_320 : vector<1x16xf32> to vector<16xf32>
      %broadcast_in_dim3A_322 = vector.shape_cast %xor3A_4 : vector<16xi32> to vector<16x1xi32>
      %gather3A_323 = vector.shape_cast %broadcast_in_dim3A_322 : vector<16x1xi32> to vector<16xi32>
      %gather3A_324 = tpu.dynamic_gather %get3A_313[%gather3A_323] in [0] : vector<16xf32>, vector<16xi32> -> vector<16xf32>
      %add3A_325 = arith.addf %get3A_313, %gather3A_324 : vector<16xf32>
      %broadcast_in_dim3A_326 = vector.shape_cast %xor3A_4 : vector<16xi32> to vector<16x1xi32>
      %gather3A_327 = vector.shape_cast %broadcast_in_dim3A_326 : vector<16x1xi32> to vector<16xi32>
      %gather3A_328 = tpu.dynamic_gather %get3A_321[%gather3A_327] in [0] : vector<16xf32>, vector<16xi32> -> vector<16xf32>
      %add3A_329 = arith.addf %get3A_321, %gather3A_328 : vector<16xf32>
      %select_n3A_330 = arith.select %eq3A_17, %add3A_325, %add3A_329 : vector<16xi1>, vector<16xf32>
      %mul3A_331 = arith.constant 16 : i32
      %mul3A_332 = arith.muli %add3A_123, %mul3A_331 : i32
      %add3A_333 = arith.constant 7 : i32
      %add3A_334 = arith.addi %mul3A_332, %add3A_333 : i32
      %get3A_335 = arith.index_cast %add3A_334 : i32 to index
      %get3A_336 = arith.constant 0 : index
      %get3A_337 = tpu.vector_load %arg7[%get3A_335, %get3A_336] {strides = array<i32>} : memref<64x16xf32, #tpu.memory_space<vmem>>, vector<1x16xf32>,
      %get3A_338 = vector.shape_cast %get3A_337 : vector<1x16xf32> to vector<16xf32>
      %mul3A_339 = arith.constant 16 : i32
      %mul3A_340 = arith.muli %add3A_123, %mul3A_339 : i32
      %add3A_341 = arith.constant 15 : i32
      %add3A_342 = arith.addi %mul3A_340, %add3A_341 : i32
      %get3A_343 = arith.index_cast %add3A_342 : i32 to index
      %get3A_344 = arith.constant 0 : index
      %get3A_345 = tpu.vector_load %arg7[%get3A_343, %get3A_344] {strides = array<i32>} : memref<64x16xf32, #tpu.memory_space<vmem>>, vector<1x16xf32>,
      %get3A_346 = vector.shape_cast %get3A_345 : vector<1x16xf32> to vector<16xf32>
      %broadcast_in_dim3A_347 = vector.shape_cast %xor3A_4 : vector<16xi32> to vector<16x1xi32>
      %gather3A_348 = vector.shape_cast %broadcast_in_dim3A_347 : vector<16x1xi32> to vector<16xi32>
      %gather3A_349 = tpu.dynamic_gather %get3A_338[%gather3A_348] in [0] : vector<16xf32>, vector<16xi32> -> vector<16xf32>
      %add3A_350 = arith.addf %get3A_338, %gather3A_349 : vector<16xf32>
      %broadcast_in_dim3A_351 = vector.shape_cast %xor3A_4 : vector<16xi32> to vector<16x1xi32>
      %gather3A_352 = vector.shape_cast %broadcast_in_dim3A_351 : vector<16x1xi32> to vector<16xi32>
      %gather3A_353 = tpu.dynamic_gather %get3A_346[%gather3A_352] in [0] : vector<16xf32>, vector<16xi32> -> vector<16xf32>
      %add3A_354 = arith.addf %get3A_346, %gather3A_353 : vector<16xf32>
      %select_n3A_355 = arith.select %eq3A_17, %add3A_350, %add3A_354 : vector<16xi1>, vector<16xf32>
      %broadcast_in_dim3A_356 = vector.shape_cast %xor3A_7 : vector<16xi32> to vector<16x1xi32>
      %gather3A_357 = vector.shape_cast %broadcast_in_dim3A_356 : vector<16x1xi32> to vector<16xi32>
      %gather3A_358 = tpu.dynamic_gather %select_n3A_330[%gather3A_357] in [0] : vector<16xf32>, vector<16xi32> -> vector<16xf32>
      %add3A_359 = arith.addf %select_n3A_330, %gather3A_358 : vector<16xf32>
      %broadcast_in_dim3A_360 = vector.shape_cast %xor3A_7 : vector<16xi32> to vector<16x1xi32>
      %gather3A_361 = vector.shape_cast %broadcast_in_dim3A_360 : vector<16x1xi32> to vector<16xi32>
      %gather3A_362 = tpu.dynamic_gather %select_n3A_355[%gather3A_361] in [0] : vector<16xf32>, vector<16xi32> -> vector<16xf32>
      %add3A_363 = arith.addf %select_n3A_355, %gather3A_362 : vector<16xf32>
      %select_n3A_364 = arith.select %eq3A_23, %add3A_359, %add3A_363 : vector<16xi1>, vector<16xf32>
      %broadcast_in_dim3A_365 = vector.shape_cast %xor3A_10 : vector<16xi32> to vector<16x1xi32>
      %gather3A_366 = vector.shape_cast %broadcast_in_dim3A_365 : vector<16x1xi32> to vector<16xi32>
      %gather3A_367 = tpu.dynamic_gather %select_n3A_305[%gather3A_366] in [0] : vector<16xf32>, vector<16xi32> -> vector<16xf32>
      %add3A_368 = arith.addf %select_n3A_305, %gather3A_367 : vector<16xf32>
      %broadcast_in_dim3A_369 = vector.shape_cast %xor3A_10 : vector<16xi32> to vector<16x1xi32>
      %gather3A_370 = vector.shape_cast %broadcast_in_dim3A_369 : vector<16x1xi32> to vector<16xi32>
      %gather3A_371 = tpu.dynamic_gather %select_n3A_364[%gather3A_370] in [0] : vector<16xf32>, vector<16xi32> -> vector<16xf32>
      %add3A_372 = arith.addf %select_n3A_364, %gather3A_371 : vector<16xf32>
      %select_n3A_373 = arith.select %eq3A_29, %add3A_368, %add3A_372 : vector<16xi1>, vector<16xf32>
      %broadcast_in_dim3A_374 = vector.shape_cast %xor3A_13 : vector<16xi32> to vector<16x1xi32>
      %gather3A_375 = vector.shape_cast %broadcast_in_dim3A_374 : vector<16x1xi32> to vector<16xi32>
      %gather3A_376 = tpu.dynamic_gather %select_n3A_246[%gather3A_375] in [0] : vector<16xf32>, vector<16xi32> -> vector<16xf32>
      %add3A_377 = arith.addf %select_n3A_246, %gather3A_376 : vector<16xf32>
      %broadcast_in_dim3A_378 = vector.shape_cast %xor3A_13 : vector<16xi32> to vector<16x1xi32>
      %gather3A_379 = vector.shape_cast %broadcast_in_dim3A_378 : vector<16x1xi32> to vector<16xi32>
      %gather3A_380 = tpu.dynamic_gather %select_n3A_373[%gather3A_379] in [0] : vector<16xf32>, vector<16xi32> -> vector<16xf32>
      %add3A_381 = arith.addf %select_n3A_373, %gather3A_380 : vector<16xf32>
      %select_n3A_382 = arith.select %eq3A_35, %add3A_377, %add3A_381 : vector<16xi1>, vector<16xf32>
      %mul3A_383 = arith.constant 64 : i32
      %mul3A_384 = arith.muli %add3A_72, %mul3A_383 : i32
      %mul3A_385 = arith.constant 16 : i32
      %mul3A_386 = arith.muli %add3A_123, %mul3A_385 : i32
      %add3A_387 = arith.addi %mul3A_384, %mul3A_386 : i32
      %swap3A = arith.index_cast %add3A_387 : i32 to index
      %swap3A_388 = tpu.vector_load %arg8[%swap3A] {strides = array<i32>} : memref<64xf32, #tpu.memory_space<vmem>>, vector<16xf32>,
      %swap3A_389 = vector.shape_cast %swap3A_388 : vector<16xf32> to vector<16xf32>
      %swap3A_390 = vector.shape_cast %select_n3A_382 : vector<16xf32> to vector<16xf32>
      tpu.vector_store %arg8[%swap3A], %swap3A_390 {strides = array<i32>} : memref<64xf32, #tpu.memory_space<vmem>>, vector<16xf32>,
    }
    %scan3A_117 = arith.constant 4 : i32
    %scan3A_118 = arith.constant 1 : i32
    "tpu.region"() ({
      %run_scoped3A = tpu.sem_alloc : memref<!tpu.dma_semaphore, #tpu.memory_space<semaphore_mem>>
      %dma_start3A_119 = tpu.memref_slice %arg4[%mul3A_2] : memref<2048xf32, #tpu.memory_space<hbm>> -> memref<64xf32, #tpu.memory_space<hbm>>
      %dma_start3A_120 = tpu.memref_slice %arg4[%mul3A_2] : memref<2048xf32, #tpu.memory_space<hbm>> -> memref<64xf32, #tpu.memory_space<hbm>>
      tpu.enqueue_dma source(%arg8 : memref<64xf32, #tpu.memory_space<vmem>>) target(%dma_start3A_120 : memref<64xf32, #tpu.memory_space<hbm>>) target_semaphore(%run_scoped3A : memref<!tpu.dma_semaphore, #tpu.memory_space<semaphore_mem>>)
      %dma_wait3A_121 = tpu.memref_slice %arg4[%mul3A_2] : memref<2048xf32, #tpu.memory_space<hbm>> -> memref<64xf32, #tpu.memory_space<hbm>>
      %dma_wait3A_122 = tpu.memref_slice %arg4[%mul3A_2] : memref<2048xf32, #tpu.memory_space<hbm>> -> memref<64xf32, #tpu.memory_space<hbm>>
      tpu.wait_dma2 semaphore(%run_scoped3A : memref<!tpu.dma_semaphore, #tpu.memory_space<semaphore_mem>>) src(%arg8 : memref<64xf32, #tpu.memory_space<vmem>>) dst(%dma_wait3A_122 : memref<64xf32, #tpu.memory_space<hbm>>)
      tpu.yield
    }) : () -> ()
    return
  }
}

module attributes {stable_mosaic.version = 14 : i64} {
  func.func @_tc_body(%arg0: i32, %arg1: memref<2048x128xf32, #tpu.memory_space<vmem>>, %arg2: memref<2048x128xf32, #tpu.memory_space<vmem>>, %arg3: memref<2048xf32, #tpu.memory_space<vmem>>) attributes {dimension_semantics = [#tpu.dimension_semantics<arbitrary>], iteration_bounds = array<i64: 7>, scalar_prefetch = 0 : i64, scratch_operands = 0 : i64, tpu.core_type = #tpu.core_type<tc>, window_params = [{transform_indices = @transform_0, window_bounds = array<i64: 2048, 128>}, {transform_indices = @transform_1, window_bounds = array<i64: 2048, 128>}, {transform_indices = @transform_2, window_bounds = array<i64: 2048>}]} {
    %get3A = arith.constant 0 : index
    %get3A_0 = arith.constant 0 : index
    %get3A_1 = vector.load %arg1[%get3A, %get3A_0] : memref<2048x128xf32, #tpu.memory_space<vmem>>, vector<2048x128xf32>
    %get3A_2 = arith.constant 0 : index
    %get3A_3 = arith.constant 0 : index
    %get3A_4 = vector.load %arg2[%get3A_2, %get3A_3] : memref<2048x128xf32, #tpu.memory_space<vmem>>, vector<2048x128xf32>
    %mul3A = arith.mulf %get3A_1, %get3A_4 : vector<2048x128xf32>
    %reduce_sum3A = arith.constant dense<0.000000e+00> : vector<2048xf32>
    %reduce_sum3A_5 = vector.multi_reduction <add>, %mul3A, %reduce_sum3A [1] : vector<2048x128xf32> to vector<2048xf32>
    %swap3A = arith.constant 0 : index
    %swap3A_6 = vector.load %arg3[%swap3A] : memref<2048xf32, #tpu.memory_space<vmem>>, vector<2048xf32>
    tpu.vector_store %arg3[%swap3A], %reduce_sum3A_5 {strides = array<i32>} : memref<2048xf32, #tpu.memory_space<vmem>>, vector<2048xf32>,
    return
  }
  func.func @transform_0(%arg0: i32) -> (i32, i32) {
    %add3A = arith.constant 1 : i32
    %add3A_0 = arith.addi %arg0, %add3A : i32
    %c0_i32 = arith.constant 0 : i32
    %c0_i32_1 = arith.constant 0 : i32
    return %add3A_0, %c0_i32 : i32, i32
  }
  func.func @transform_1(%arg0: i32) -> (i32, i32) {
    %add3A = arith.constant 1 : i32
    %add3A_0 = arith.addi %arg0, %add3A : i32
    %c0_i32 = arith.constant 0 : i32
    %c0_i32_1 = arith.constant 0 : i32
    return %add3A_0, %c0_i32 : i32, i32
  }
  func.func @transform_2(%arg0: i32) -> i32 {
    %c0_i32 = arith.constant 0 : i32
    return %arg0 : i32
  }
}

</mosaic_0001>

<sc_bundles>
// kernel: kernel.4.cloned.1.call-start
scs
__scs_entry_jumppad:
0x0: {  	(pc) =	sbr.rel $0x88, $3  }
0x1: {  	(tag) =	ssettag $0x0;
	lr =	simm.s32 $0x1  }
0x2: {  	[smem:$0x3F9F] =	sst lr;
	_ =	strace $0xD0000000  }
0x3: {  	_ = 	snop  }
0x4: {  	_ = 	snop  }
0x5: {  	_ = 	snop  }
0x6: {  	_ = 	snop  }
0x7: {  	_ = 	snop  }
__scs_overlays_trampoline_lowered:
0x8: {  	[smem:$0x3FAE] =	sst s0  }
0x9: {  	[smem:$0x3FAF] =	sst s1  }
0xa: {  	[smem:$0x3FB0] =	sst s2  }
0xb: {  	[smem:$0x3FB1] =	sst s3  }
0xc: {  	[smem:$0x3FB2] =	sst s4  }
0xd: {  	[smem:$0x3FB3] =	sst s5  }
0xe: {  	[smem:$0x3FB4] =	sst s6  }
0xf: {  	[smem:$0x3FB5] =	sst s7  }
0x10: {  	[smem:$0x3FB6] =	sst s8  }
0x11: {  	[smem:$0x3FB7] =	sst s9;
	s0 =	simm.s32 @!p0 $0x0  }
0x12: {  	s1 =	sld [smem:$0x3F9D];
	s0 =	simm.s32 @p0 $0x1  }
0x13: {  	[smem:$0x3FB8] =	sst s0;
	s0 =	simm.s32 @!p1 $0x0  }
0x14: {  	s2 =	sld [smem:$0x3F9C];
	s0 =	simm.s32 @p1 $0x1  }
0x15: {  	[smem:$0x3FB9] =	sst s0;
	s0 =	simm.s32 @!p2 $0x0  }
0x16: {  	s3 =	sld [smem:$0x3FDB];
	s0 =	simm.s32 @p2 $0x1  }
0x17: {  	s4 =	simm.s32 $0x1BF5;
	[smem:$0x3FBB] =	sst s0  }
0x18: {  	s0 =	sld [smem:$0x3F9E];
	_ =	swait.ge [sflag:s4], $0x0  }
0x19: {  	s7 =	sld [smem:$0x3F9F]  }
0x1a: {  	s8 =	sadd.s32 $0xFFFFE003, lr  }
0x1b: {  	s9 =	sadd.s32 $0xFFFFFEF7, lr;
	s5 =	simm.s32 $0xFFFFFFFF;
	p2 =	slt.u32 s8, $0xFFFFF086  }
0x1c: {  	p1 =	slt.u32 s9, $0xF7A;
	s5 =	simm.s32 @!p2 $0x0  }
0x1d: {  	s5 =	simm.s32 @p1 $0x1;
	p0 =	seq.s32 s7, s2  }
0x1e: {  	s7 =	smul.u32 @!p0 $0xF7A, s2;
	p2 =	seq.s32 @!p0 s5, $0x0  }
0x1f: {  	s9 =	smul.u32 $0xF7A, s1;
	s8 =	simm.s32 @!p0 $0x1BF5;
	p2 =	por !p2, p0  }
0x20: {  	[sflag:s8] =	ssyncset.s32 @!p0 $0xFFFFF086;
	s6 =	sadd.s32 @!p0 s3, s7;
	s7 =	simm.s32 @!p0 $0x108  }
0x21: {  	s3 =	sadd.s32 s3, s9;
	s6 =	sadd.s32 @!p0 $0x88, s6;
	s7 =	simm.s32 @p2 $0x1082  }
0x22: {  	[simem:s7], [sflag:s8] =	dma.local @!p0 [hbm:s6], $0xF7A  }
0x23: {  	s9 =	sor.u32 $0xD0000000, s2;
	s6 =	simm.s32 $0x108;
	_ =	swait.ge @!p0 [sflag:s8], $0x0  }
0x24: {  	s3 =	sadd.s32 $0x88, s3;
	s6 =	simm.s32 @!p1 $0x1082;
	[sflag:s4] =	ssyncset.s32 $0xFFFFF086  }
0x25: {  	[simem:s6], [sflag:s4] =	dma.local [hbm:s3], $0xF7A  }
0x26: {  	[smem:$0x3F9F] =	sst s1;
	(tag) =	ssettag s2;
	_ =	strace s9  }
0x27: {  	s1 =	sld [smem:$0x3FAF]  }
0x28: {  	s2 =	sld [smem:$0x3FB0]  }
0x29: {  	s4 =	sld [smem:$0x3FB2]  }
0x2a: {  	p0 =	seq.s32 s5, $0x0;
	s5 =	sld [smem:$0x3FB3]  }
0x2b: {  	s6 =	sld [smem:$0x3FB4]  }
0x2c: {  	s7 =	sld [smem:$0x3FB5]  }
0x2d: {  	s3 =	simm.s32 $0x108;
	s8 =	sld [smem:$0x3FB6]  }
0x2e: {  	s3 =	simm.s32 @!p0 $0x1082;
	s9 =	sld [smem:$0x3FB7]  }
0x2f: {  	lr =	sadd.s32 s0, s3;
	s0 =	sld [smem:$0x3FAE]  }
0x30: {  	s3 =	sld [smem:$0x3FB1]  }
0x31: {  	[smem:$0x3FBA] =	sst s10  }
0x32: {  	s10 =	sld [smem:$0x3FB8];
	_ =	sdelay $0x3  }
0x33: {  	p0 =	seq.s32 s10, $0x1;
	s10 =	sld [smem:$0x3FBA];
	_ =	sdelay $0x3  }
0x34: {  	[smem:$0x3FBA] =	sst s10  }
0x35: {  	s10 =	sld [smem:$0x3FB9];
	_ =	sdelay $0x3  }
0x36: {  	p1 =	seq.s32 s10, $0x1;
	s10 =	sld [smem:$0x3FBA];
	_ =	sdelay $0x3  }
0x37: {  	[smem:$0x3FBA] =	sst s10  }
0x38: {  	s10 =	sld [smem:$0x3FBB]  }
0x39: {  	_ = 	snop;
	(pc) =	sbr.ind lr, $3  }
0x3a: {  	_ = 	snop  }
0x3b: {  	_ = 	snop  }
0x3c: {  	p2 =	seq.s32 s10, $0x1;
	s10 =	sld [smem:$0x3FBA]  }
0x3d: {  	_ =	shalt  }
0x3e: {  	_ =	shalt  }
0x3f: {  	_ =	shalt  }
0x40: {  	_ =	shalt  }
0x41: {  	_ =	shalt  }
0x42: {  	_ =	shalt  }
0x43: {  	_ =	shalt  }
0x44: {  	_ =	shalt  }
0x45: {  	_ =	shalt  }
0x46: {  	_ =	shalt  }
0x47: {  	_ =	shalt  }
0x48: {  	_ =	shalt  }
0x49: {  	_ =	shalt  }
0x4a: {  	_ =	shalt  }
0x4b: {  	_ =	shalt  }
0x4c: {  	_ =	shalt  }
0x4d: {  	_ =	shalt  }
0x4e: {  	_ =	shalt  }
0x4f: {  	_ =	shalt  }
0x50: {  	_ =	shalt  }
0x51: {  	_ =	shalt  }
0x52: {  	_ =	shalt  }
0x53: {  	_ =	shalt  }
0x54: {  	_ =	shalt  }
0x55: {  	_ =	shalt  }
0x56: {  	_ =	shalt  }
0x57: {  	_ =	shalt  }
0x58: {  	_ =	shalt  }
0x59: {  	_ =	shalt  }
0x5a: {  	_ =	shalt  }
0x5b: {  	_ =	shalt  }
0x5c: {  	_ =	shalt  }
0x5d: {  	_ =	shalt  }
0x5e: {  	_ =	shalt  }
0x5f: {  	_ =	shalt  }
0x60: {  	_ =	shalt  }
0x61: {  	_ =	shalt  }
0x62: {  	_ =	shalt  }
0x63: {  	_ =	shalt  }
0x64: {  	_ =	shalt  }
0x65: {  	_ =	shalt  }
0x66: {  	_ =	shalt  }
0x67: {  	_ =	shalt  }
0x68: {  	_ =	shalt  }
0x69: {  	_ =	shalt  }
0x6a: {  	_ =	shalt  }
0x6b: {  	_ =	shalt  }
0x6c: {  	_ =	shalt  }
0x6d: {  	_ =	shalt  }
0x6e: {  	_ =	shalt  }
0x6f: {  	_ =	shalt  }
0x70: {  	_ =	shalt  }
0x71: {  	_ =	shalt  }
0x72: {  	_ =	shalt  }
0x73: {  	_ =	shalt  }
0x74: {  	_ =	shalt  }
0x75: {  	_ =	shalt  }
0x76: {  	_ =	shalt  }
0x77: {  	_ =	shalt  }
0x78: {  	_ =	shalt  }
0x79: {  	_ =	shalt  }
0x7a: {  	_ =	shalt  }
0x7b: {  	_ =	shalt  }
0x7c: {  	_ =	shalt  }
0x7d: {  	_ =	shalt  }
0x7e: {  	_ =	shalt  }
0x7f: {  	_ =	shalt  }
0x80: {  	_ =	shalt  }
0x81: {  	_ =	shalt  }
0x82: {  	_ =	shalt  }
0x83: {  	_ =	shalt  }
0x84: {  	_ =	shalt  }
0x85: {  	_ =	shalt  }
0x86: {  	_ =	shalt  }
0x87: {  	_ =	shalt  }
.Lfunc_end0:
.L_simem_size_0:
called_computation_lowered:
.L_overlay_start_0:
0x88: {  	s2 =	sld [smem:$0x3FD9]  }
0x89: {  	s3 =	sld [smem:$0x3FFE];
	_ =	sdelay $0x1  }
0x8a: {  	s1 =	srdreg.scid  }
0x8b: {  	s0 =	sand.u32 $0x1, s1  }
0x8c: {  	s17 =	sshll.u32 s0, $0xA;
	s2 =	sadd.s32 s3, s2  }
0x8d: {  	s2 =	sadd.s32 s2, s17  }
0x8e: {  	[smem:$0x3FC6] =	sst s2  }
0x8f: {  	_ = 	snop  }
0x90: {  	s2 =	sld [smem:$0x3FC9]  }
0x91: {  	s18 =	sld [smem:$0x3FC8];
	(tm) =	ssettm $0x1  }
0x92: {  	s4 =	sld [smem:$0x3FFB];
	_ =	sdelay $0x3  }
0x93: {  	_ =	strace s4  }
0x94: {  	s4 =	sld [smem:$0x3FFC];
	_ =	sdelay $0x3  }
0x95: {  	_ =	strace s4  }
0x96: {  	s4 =	sld [smem:$0x3FFD];
	_ =	sdelay $0x3  }
0x97: {  	_ =	strace s4  }
0x98: {  	_ =	strace $0x8FFFFFFF  }
0x99: {  	s19 =	sld [smem:$0x3FDB];
	_ =	sdelay $0x1  }
0x9a: {  	s5 =	simm.s32 $_scs_section_size  }
0x9b: {  	s6 =	simm.s32 $_size__tile_overlayer_lowered;
	s7 =	simm.s32 $_tile_overlayer_lowered  }
0x9c: {  	s22 =	simm.s32 $0x1BFF;
	s21 =	sshll.u32 s7, $0x1;
	s4 =	sadd.s32 s5, s19  }
0x9d: {  	s8 =	simm.s32 $0x0;
	s20 =	sshll.u32 s6, $0x1;
	s6 =	sadd.s32 s21, s4  }
0x9e: {  	[timem:s8], [sflag:s22] =	dma.local [hbm:s6], s20  }
0x9f: {  	_ =	swait.ge [sflag:s22], s20  }
0xa0: {  	s5 =	ssub.s32 $0x0, s20;
	[sflag:s22] =	ssyncset.done $0x0  }
0xa1: {  	[sflag:s22] =	ssyncadd.s32 s5;
	_ =	sdelay $0x1  }
0xa2: {  	s23 =	simm.s32 $0x1B8B  }
0xa3: {  	_ =	swait.ge [sflag:s23], $0x1  }
0xa4: {  	[sflag:s23] =	ssyncset.done $0x0  }
0xa5: {  	s25 =	simm.s32 $0x1B8E;
	s24 =	sld [smem:$0x3FFE];
	[sflag:s23] =	ssyncadd.s32 $0xFFFFFFFF  }
0xa6: {  	s26 =	simm.s32 $execute0_lowered;
	[smem:$0x3FD2] =	sst s25  }
0xa7: {  	s6 =	sshll.u32 s26, $0x1;
	_ =	strace $0x80000046;
	[dreg:$0x1] =	wrdreg $0xFFFFFFFF  }
0xa8: {  	s28 =	simm.s32 $_size_execute0_lowered;
	s4 =	sadd.s32 s4, s6;
	[dreg:$0x0] =	wrdreg $0x0  }
0xa9: {  	s6 =	sshll.u32 s28, $0x1;
	[dreg:$0x2] =	wrdreg s4  }
0xaa: {  	[dreg:$0x3] =	wrdreg s6  }
0xab: {  	[dreg:$0x4] =	wrdreg $0xC0  }
0xac: {  	_ =	task [dreg:s8], $0x5FFFF  }
0xad: {  	[dreg:$0x1] =	wrdreg $0xFFFFFFFF  }
0xae: {  	[dreg:$0x0] =	wrdreg $0x60  }
0xaf: {  	[dreg:$0x2] =	wrdreg s2  }
0xb0: {  	[dreg:$0x3] =	wrdreg s18  }
0xb1: {  	[dreg:$0x4] =	wrdreg s24  }
0xb2: {  	[dreg:$0x5] =	wrdreg $0x9  }
0xb3: {  	_ =	task.clear_ibuf [dreg:s8], $0x6FFFF;
	_ =	strace $0x90000046  }
0xb4: {  	s29 =	simm.s32 $0x9;
	_ =	strace $0x80000048  }
0xb5: {  	_ =	swait.ge [sflag:s29], $0x1  }
0xb6: {  	[sflag:s29] =	ssyncadd.s32 $0xFFFFFFFF  }
0xb7: {  	_ =	strace $0x90000048  }
0xb8: {  	_ =	sfence  }
0xb9: {  	s30 =	sld [smem:$0x0];
	_ =	sdelay $0x2  }
0xba: {  	s31 =	sshll.u32 s1, $0xD;
	s1 =	sshrl.u32 s1, $0x2  }
0xbb: {  	s3 =	sand.u32 $0x4000, s31;
	s1 =	sadd.s32 s1, s30  }
0xbc: {  	s0 =	sor.u32 s3, s0;
	s1 =	sshll.u32 s1, $0x11  }
0xbd: {  	s0 =	sor.u32 s1, s0  }
0xbe: {  	s0 =	sadd.s32 $0x8F2B, s0  }
0xbf: {  	[sflag:s0] =	ssyncadd.remote.s32 $0x1  }
0xc0: {  	_ =	sfence.sel $0xFFFF  }
0xc1: {  	[dreg:$0x0] =	wrdreg $0xFFFFFFFF;
	(pc) =	sbr.abs _section_cstart, $3  }
0xc2: {  	[dreg:$0x1] =	wrdreg $0xFFFFFFFF  }
0xc3: {  	_ =	task.clear_ibuf [dreg:s8], $0x2FFFF;
	_ =	strace $0x9FFFFFFF  }
0xc4: {  	(tm) =	ssettm $0x7FFFFFFF  }
0xc5: {  	_ =	shalt  }
tec
execute0_lowered:
.L_overlay_start_1:
0x0: {  	(tag) =	ssettag $0x1  }
0x1: {  	v0 =	vimm.s32 $0x76543210;
	v1 =	vimm.s32 $0xFEDCBA98;
	v2 =	vimm.s32 $0xBA98FEDC  }
0x2: {  	v3 =	vimm.s32 $0x32107654;
	v4 =	vimm.s32 $0xDCFE98BA;
	v5 =	vimm.s32 $0x54761032  }
0x3: {  	vm0 =	vcmask $0x2F20;
	vm1 =	vcmask $0xF00;
	vm2 =	vcmask $0x1710  }
0x4: {  	vm3 =	vcmask $0x700;
	vm4 =	vcmask $0x300;
	v1 =	vunpack.c.l.s4.s8 v1  }
0x5: {  	v0 =	vunpack.c.l.s4.s8 v0;
	v2 =	vunpack.c.l.s4.s8 v2;
	v3 =	vunpack.c.l.s4.s8 v3  }
0x6: {  	v4 =	vunpack.c.l.s4.s8 v4;
	vm0 =	vmor vm1, vm0;
	v1 =	vunpack.c.0.s8.s32 v1  }
0x7: {  	v0 =	vunpack.c.0.s8.s32 v0;
	v2 =	vunpack.c.0.s8.s32 v2;
	v3 =	vunpack.c.0.s8.s32 v3  }
0x8: {  	vm1 =	vmor vm3, vm2;
	vm3 =	vcmask $0xB08;
	v1 =	vand.u32 $0xF, v1  }
0x9: {  	v0 =	vcombine.low v1, v0;
	v1 =	vcombine.low v3, v2;
	v2 =	vunpack.c.l.s4.s8 v5  }
0xa: {  	s3 =	rddreg [dreg:$0x0];
	vm2 =	vcmask $0x2720;
	vm3 =	vmor vm4, vm3  }
0xb: {  	s4 =	rddreg [dreg:$0x1];
	vm4 =	vcmask $0x1310;
	v3 =	vunpack.c.0.s8.s32 v4;
	v2 =	vunpack.c.0.s8.s32 v2  }
0xc: {  	s5 =	rddreg [dreg:$0x2];
	s2 =	srdreg.scid;
	vm1 =	vmor vm1, vm2;
	vm2 =	vcmask $0x3730;
	vm3 =	vmor vm3, vm4  }
0xd: {  	s0 =	rddreg [dreg:$0x3];
	s1 =	stileid.u32;
	s10 =	simm.s32 $0x3;
	v4 =	vimm.s32 $0x67452301;
	v2 =	vcombine.low v2, v3;
	v3 =	vimm.s32 $0xEFCDAB89  }
0xe: {  	s11 =	simm.s32 $0x0;
	s6 =	sand.u32 $0x1, s2;
	s2 =	simm.s32 $0x0;
	vm4 =	vcmask $0x1B18;
	v4 =	vunpack.c.l.s4.s8 v4;
	v3 =	vunpack.c.l.s4.s8 v3  }
0xf: {  	s7 =	sshll.u32 s1, $0x7;
	s8 =	sshll.u32 s6, $0x6;
	s6 =	ssub.s32 $0x2, s6;
	vm1 =	vmor vm1, vm2;
	vm2 =	vmor vm3, vm4  }
0x10: {  	[smem:$0x7FF] =	sst s2;
	s7 =	sor.u32 s8, s7;
	s9 =	sshrl.u32 s6, $0x1;
	vm3 =	vcmask $0x2320;
	v4 =	vunpack.c.0.s8.s32 v4;
	v3 =	vunpack.c.0.s8.s32 v3  }
0x11: {  	_ =	strace $0x80000047;
	s8 =	sshrl.u32 s7, $0x3;
	s6 =	ssub.s32 s6, s9;
	vm4 =	vcmask $0x2B28;
	vm3 =	vmor vm2, vm3;
	vm2 =	vmmov $0xff  }
0x12: {  	s7 =	sshll.u32 s7, $0x4;
	s9 =	simm.s32 $0xA000;
	s5 =	sadd.s32 s8, s5;
	vm3 =	vmor vm3, vm4;
	vm4 =	vcmask $0x3330;
	v3 =	vcombine.low v4, v3  }
0x13: {  	s3 =	sadd.s32 s3, s7;
	s4 =	sadd.s32 s4, s7;
	s6 =	smax.u32 s6, $0x1;
	vm3 =	vmor vm3, vm4;
	vm4 =	vcmask $0x3B38;
	v1 =	vand.u32 $0xF, v1  }
0x14: {  	s7 =	simm.s32 $0x4000;
	s8 =	simm.s32 $0x1;
	s5 =	sadd.s32 $0x800, s5;
	vm3 =	vmor vm3, vm4;
	v2 =	vand.u32 $0xF, v2;
	v3 =	vand.u32 $0xF, v3  }
.LBB2_1:
0x15: {  	[tilespmem:s2], [sflag:$0x1] =	stream.linear.gather [hbm4b:s3+s2], $0x2000, $0x38;
	[tilespmem:$0xA080] =	vst v63  }
0x16: {  	_ = 	snop  }
0x17: {  	[tilespmem:s7], [sflag:$0x1] =	stream.linear.gather [hbm4b:s4+s2], $0x2000, $0x38;
	[tilespmem:$0xA080] =	vst v63  }
0x18: {  	_ =	swait.ge [sflag:s8], $0x2000  }
0x19: {  	[sflag:s8] =	ssyncset.done $0x0  }
0x1a: {  	[sflag:s8] =	ssyncadd.s32 $0xFFFFE000  }
0x1b: {  	_ =	swait.ge [sflag:s8], $0x2000  }
0x1c: {  	[sflag:s8] =	ssyncset.done $0x0  }
0x1d: {  	s12 =	simm.s32 $0x0;
	[sflag:s8] =	ssyncadd.s32 $0xFFFFE000  }
0x1e: {  	v10 =	vld [tilespmem:s12+$0x0]  }
0x1f: {  	v4 =	vld [tilespmem:s12+$0x4000]  }
0x20: {  	v5 =	vld [tilespmem:s12+$0x10]  }
0x21: {  	v6 =	vld [tilespmem:s12+$0x4010]  }
0x22: {  	v7 =	vld [tilespmem:s12+$0x20]  }
0x23: {  	v8 =	vld [tilespmem:s12+$0x4020]  }
0x24: {  	v9 =	vld [tilespmem:s12+$0x30]  }
0x25: {  	v12 =	vld [tilespmem:s12+$0x4030]  }
0x26: {  	v11 =	vld [tilespmem:s12+$0x40]  }
0x27: {  	v13 =	vld [tilespmem:s12+$0x4040]  }
0x28: {  	v14 =	vld [tilespmem:s12+$0x50]  }
0x29: {  	v16 =	vld [tilespmem:s12+$0x4050]  }
0x2a: {  	v15 =	vld [tilespmem:s12+$0x60]  }
0x2b: {  	v17 =	vld [tilespmem:s12+$0x4060]  }
0x2c: {  	s13 =	simm.s32 $0x200;
	v18 =	vld [tilespmem:s12+$0x70]  }
.LBB2_2:
0x2d: {  	s14 =	sshra.s32 s13, $0x2;
	p0 =	sne.s32 s13, $0x7E00;
	v19 =	vld [tilespmem:s12+$0x4070]  }
0x2e: {  	v20 =	vld [tilespmem:s14+$0x0]  }
0x2f: {  	v10 =	vmul.f32 v4, v10;
	v21 =	vmul.f32 v6, v5;
	v4 =	vld [tilespmem:s14+$0x4000]  }
0x30: {  	v22 =	vmul.f32 v8, v7;
	v9 =	vmul.f32 v12, v9;
	v5 =	vld [tilespmem:s14+$0x10]  }
0x31: {  	v11 =	vmul.f32 v13, v11;
	v12 =	vmul.f32 v16, v14;
	v6 =	vld [tilespmem:s14+$0x4010]  }
0x32: {  	v13 =	vmul.f32 v17, v15;
	v7 =	vld [tilespmem:s14+$0x20];
	v14 =	vmul.f32 v19, v18  }
0x33: {  	v16 =	vadd.f32 v9, v22;
	v15 =	vadd.f32 v21, v10;
	v8 =	vld [tilespmem:s14+$0x4020];
	v10 =	vmov v20  }
0x34: {  	v17 =	vadd.f32 v12, v11;
	v9 =	vld [tilespmem:s14+$0x30];
	v13 =	vadd.f32 v14, v13  }
0x35: {  	v12 =	vld [tilespmem:s14+$0x4030]  }
0x36: {  	v15 =	vadd.f32 v16, v15;
	v11 =	vld [tilespmem:s14+$0x40];
	v16 =	vadd.f32 v13, v17  }
0x37: {  	v13 =	vld [tilespmem:s14+$0x4040]  }
.Ltmp0:
0x38: {  	v14 =	vld [tilespmem:s14+$0x50];
	v17 =	vadd.f32 v16, v15;
	(pc) =	sbr.rel @p0 .LBB2_2-.Ltmp0, $4  }
0x39: {  	v16 =	vld [tilespmem:s14+$0x4050]  }
0x3a: {  	v15 =	vld [tilespmem:s14+$0x60];
	[tilespmem:s12+$0x8000] =	vst v17;
	s12 =	smov.u32 s14  }
0x3b: {  	v17 =	vld [tilespmem:s12+$0x4060]  }
0x3c: {  	s13 =	sadd.s32 $0x200, s13;
	v18 =	vld [tilespmem:s12+$0x70]  }
0x3d: {  	v19 =	vld [tilespmem:s12+$0x4070];
	_ =	sdelay $0x1  }
0x3e: {  	v4 =	vmul.f32 v4, v10;
	v5 =	vmul.f32 v6, v5  }
0x3f: {  	v6 =	vmul.f32 v8, v7;
	v7 =	vmul.f32 v12, v9  }
0x40: {  	v22 =	vmul.f32 v13, v11;
	v23 =	vmul.f32 v16, v14  }
0x41: {  	v24 =	vmul.f32 v17, v15;
	v25 =	vmul.f32 v19, v18  }
0x42: {  	v4 =	vadd.f32 v5, v4;
	v5 =	vadd.f32 v7, v6  }
0x43: {  	v6 =	vadd.f32 v23, v22;
	v7 =	vadd.f32 v25, v24;
	_ =	sdelay $0x1  }
0x44: {  	v4 =	vadd.f32 v5, v4;
	v5 =	vadd.f32 v7, v6;
	_ =	sdelay $0x1  }
0x45: {  	v4 =	vadd.f32 v5, v4;
	_ =	sdelay $0x1  }
0x46: {  	[tilespmem:s12+$0x8000] =	vst v4;
	s12 =	simm.s32 $0x8400  }
0x47: {  	v4 =	vld [tilespmem:s12+$0xFFFFFE00]  }
0x48: {  	v5 =	vld [tilespmem:s12+$0x200]  }
0x49: {  	v6 =	vld [tilespmem:s12+$0xFFFFFD00]  }
0x4a: {  	v7 =	vld [tilespmem:s12+$0x100]  }
0x4b: {  	v26 =	vld [tilespmem:s12+$0xFFFFFC00]  }
0x4c: {  	v27 =	vld [tilespmem:s12+$0x380]  }
0x4d: {  	v29 =	vld [tilespmem:s12+$0xFFFFFF80]  }
0x4e: {  	v32 =	vld [tilespmem:s12+$0xFFFFFD80]  }
0x4f: {  	v35 =	vld [tilespmem:s12+$0x280]  }
0x50: {  	v37 =	vld [tilespmem:s12+$0xFFFFFE80]  }
0x51: {  	v40 =	vld [tilespmem:s12+$0xFFFFFC80];
	v28 =	vperm.xlane v4, v0;
	v30 =	vperm.xlane v5, v0  }
0x52: {  	v44 =	vld [tilespmem:s12+$0xFFFFFF00];
	v33 =	vperm.xlane v6, v0;
	v34 =	vperm.xlane v7, v0  }
0x53: {  	v45 =	vld [tilespmem:s12+$0x0];
	v36 =	vperm.xlane v26, v0;
	v38 =	vperm.xlane v27, v0  }
0x54: {  	v41 =	vperm.xlane v29, v0;
	v43 =	vperm.xlane v32, v0  }
0x55: {  	v42 =	vld [tilespmem:s12+$0x300];
	v21 =	vperm.xlane v35, v0;
	v46 =	vperm.xlane v37, v0  }
0x56: {  	v48 =	vperm.xlane v40, v0;
	v4 =	vadd.f32 v28, v4;
	v5 =	vadd.f32 v30, v5  }
0x57: {  	v31 =	vld [tilespmem:s12+$0x180];
	v50 =	vperm.xlane v44, v0;
	v6 =	vadd.f32 v33, v6;
	v8 =	vadd.f32 v36, v26  }
0x58: {  	v51 =	vperm.xlane v45, v0;
	v9 =	vadd.f32 v38, v27;
	v11 =	vadd.f32 v41, v29  }
0x59: {  	v10 =	vadd.f32 v43, v32;
	v4 =	vsel vm2, v4, v5;
	v5 =	vadd.f32 v34, v7;
	v7 =	vld [tilespmem:s12+$0x80]  }
0x5a: {  	v49 =	vperm.xlane v42, v0;
	v15 =	vadd.f32 v21, v35;
	v13 =	vadd.f32 v46, v37  }
0x5b: {  	v12 =	vadd.f32 v50, v44;
	v54 =	vadd.f32 v51, v45;
	v9 =	vsel vm2, v11, v9  }
0x5c: {  	v11 =	vadd.f32 v48, v40;
	v5 =	vsel vm2, v6, v5;
	v6 =	vperm.xlane v31, v0  }
0x5d: {  	v13 =	vsel vm2, v13, v15;
	v8 =	vsel vm2, v8, v54;
	v39 =	vperm.xlane v4, v1  }
0x5e: {  	v53 =	vperm.xlane v13, v1;
	v6 =	vadd.f32 v6, v31;
	v47 =	vperm.xlane v7, v0  }
0x5f: {  	v56 =	vperm.xlane v9, v1;
	v59 =	vperm.xlane v8, v1;
	v4 =	vadd.f32 v39, v4  }
0x60: {  	v6 =	vsel vm2, v10, v6;
	v10 =	vadd.f32 v49, v42;
	v7 =	vadd.f32 v47, v7  }
0x61: {  	v20 =	vperm.xlane v5, v1;
	v57 =	vadd.f32 v53, v13;
	v9 =	vadd.f32 v56, v9  }
0x62: {  	v52 =	vperm.xlane v6, v1;
	v10 =	vsel vm2, v12, v10;
	v7 =	vsel vm2, v11, v7  }
0x63: {  	v8 =	vadd.f32 v59, v8;
	v58 =	vperm.xlane v10, v1;
	v55 =	vperm.xlane v7, v1  }
0x64: {  	v5 =	vadd.f32 v20, v5;
	v6 =	vadd.f32 v52, v6  }
0x65: {  	v4 =	vsel vm0, v8, v4;
	v10 =	vadd.f32 v58, v10;
	v7 =	vadd.f32 v55, v7  }
0x66: {  	v63 =	vperm.xlane v4, v2;
	v6 =	vsel vm0, v6, v9  }
0x67: {  	v61 =	vperm.xlane v6, v2;
	v5 =	vsel vm0, v5, v10;
	v7 =	vsel vm0, v7, v57  }
0x68: {  	v62 =	vperm.xlane v5, v2;
	v60 =	vperm.xlane v7, v2  }
0x69: {  	v4 =	vadd.f32 v63, v4;
	v6 =	vadd.f32 v61, v6  }
0x6a: {  	v5 =	vadd.f32 v62, v5;
	v7 =	vadd.f32 v60, v7;
	_ =	sdelay $0x1  }
0x6b: {  	v4 =	vsel vm1, v4, v5;
	v6 =	vsel vm1, v7, v6  }
0x6c: {  	v7 =	vperm.xlane v4, v3;
	v5 =	vperm.xlane v6, v3;
	_ =	sdelay $0x1  }
0x6d: {  	v4 =	vadd.f32 v7, v4;
	v5 =	vadd.f32 v5, v6;
	_ =	sdelay $0x1  }
0x6e: {  	s13 =	simm.s32 $0x40;
	s14 =	simm.s32 $0x0;
	v4 =	vsel vm3, v4, v5  }
.LBB2_4:
0x6f: {  	p0 =	sne.s32 s13, $0xC0  }
0x70: {  	[tilespmem:s14+$0xA000] =	vst v4;
	s12 =	sadd.s32 $0x800, s12;
	s14 =	smov.u32 s13;
	s13 =	sadd.s32 $0x40, s13  }
0x71: {  	v4 =	vld [tilespmem:s12+$0xFFFFFE00]  }
0x72: {  	v5 =	vld [tilespmem:s12+$0x200]  }
0x73: {  	v6 =	vld [tilespmem:s12+$0xFFFFFD00]  }
0x74: {  	v7 =	vld [tilespmem:s12+$0x100]  }
0x75: {  	v8 =	vld [tilespmem:s12+$0xFFFFFC00]  }
0x76: {  	v9 =	vperm.xlane v4, v0;
	v10 =	vld [tilespmem:s12+$0x380]  }
0x77: {  	v11 =	vperm.xlane v5, v0;
	v12 =	vld [tilespmem:s12+$0xFFFFFF80]  }
0x78: {  	v4 =	vadd.f32 v9, v4;
	v9 =	vperm.xlane v6, v0;
	v13 =	vld [tilespmem:s12+$0x180]  }
0x79: {  	v5 =	vadd.f32 v11, v5;
	v11 =	vperm.xlane v7, v0;
	v14 =	vld [tilespmem:s12+$0xFFFFFD80]  }
0x7a: {  	v15 =	vperm.xlane v8, v0;
	v6 =	vadd.f32 v9, v6;
	v9 =	vld [tilespmem:s12+$0x280]  }
0x7b: {  	v4 =	vsel vm2, v4, v5;
	v5 =	vadd.f32 v11, v7;
	v7 =	vld [tilespmem:s12+$0xFFFFFE80];
	v11 =	vperm.xlane v10, v0  }
0x7c: {  	v8 =	vadd.f32 v15, v8;
	v15 =	vperm.xlane v4, v1;
	v16 =	vld [tilespmem:s12+$0x80];
	v17 =	vperm.xlane v12, v0  }
0x7d: {  	v5 =	vsel vm2, v6, v5;
	v6 =	vld [tilespmem:s12+$0xFFFFFC80];
	v18 =	vperm.xlane v13, v0;
	v10 =	vadd.f32 v11, v10  }
0x7e: {  	v4 =	vadd.f32 v15, v4;
	v11 =	vld [tilespmem:s12+$0x300];
	v15 =	vperm.xlane v5, v1;
	v19 =	vperm.xlane v14, v0  }
0x7f: {  	v12 =	vadd.f32 v17, v12;
	v20 =	vld [tilespmem:s12+$0xFFFFFF00];
	v21 =	vperm.xlane v9, v0;
	v13 =	vadd.f32 v18, v13  }
0x80: {  	v17 =	vld [tilespmem:s12+$0x0];
	v5 =	vadd.f32 v15, v5;
	v15 =	vperm.xlane v7, v0;
	v14 =	vadd.f32 v19, v14  }
0x81: {  	v10 =	vsel vm2, v12, v10;
	v18 =	vperm.xlane v16, v0;
	v9 =	vadd.f32 v21, v9  }
0x82: {  	v12 =	vperm.xlane v6, v0;
	v7 =	vadd.f32 v15, v7;
	v13 =	vsel vm2, v14, v13  }
0x83: {  	v14 =	vperm.xlane v11, v0;
	v15 =	vadd.f32 v18, v16;
	v16 =	vperm.xlane v13, v1  }
0x84: {  	v18 =	vperm.xlane v20, v0;
	v6 =	vadd.f32 v12, v6;
	v7 =	vsel vm2, v7, v9  }
0x85: {  	v9 =	vperm.xlane v17, v0;
	v12 =	vperm.xlane v7, v1;
	v13 =	vadd.f32 v16, v13  }
0x86: {  	v11 =	vadd.f32 v14, v11;
	v16 =	vadd.f32 v18, v20;
	v6 =	vsel vm2, v6, v15  }
0x87: {  	v15 =	vperm.xlane v10, v1;
	v9 =	vadd.f32 v9, v17;
	v14 =	vperm.xlane v6, v1  }
0x88: {  	v7 =	vadd.f32 v12, v7;
	v11 =	vsel vm2, v16, v11  }
0x89: {  	v8 =	vsel vm2, v8, v9;
	v9 =	vperm.xlane v11, v1;
	v6 =	vadd.f32 v14, v6  }
0x8a: {  	v10 =	vadd.f32 v15, v10;
	v12 =	vperm.xlane v8, v1  }
0x8b: {  	v9 =	vadd.f32 v9, v11;
	v6 =	vsel vm0, v6, v7  }
0x8c: {  	v7 =	vadd.f32 v12, v8;
	v8 =	vsel vm0, v13, v10;
	v10 =	vperm.xlane v6, v2  }
0x8d: {  	v5 =	vsel vm0, v5, v9;
	v9 =	vperm.xlane v8, v2  }
0x8e: {  	v4 =	vsel vm0, v7, v4;
	v7 =	vperm.xlane v5, v2;
	v6 =	vadd.f32 v10, v6  }
0x8f: {  	v10 =	vperm.xlane v4, v2;
	v8 =	vadd.f32 v9, v8  }
0x90: {  	v5 =	vadd.f32 v7, v5  }
0x91: {  	v4 =	vadd.f32 v10, v4;
	v6 =	vsel vm1, v6, v8  }
0x92: {  	v7 =	vperm.xlane v6, v3  }
0x93: {  	v4 =	vsel vm1, v4, v5  }
.Ltmp1:
0x94: {  	v5 =	vperm.xlane v4, v3;
	v6 =	vadd.f32 v7, v6;
	(pc) =	sbr.rel @p0 .LBB2_4-.Ltmp1, $3  }
0x95: {  	_ = 	snop  }
0x96: {  	v4 =	vadd.f32 v5, v4;
	_ =	sdelay $0x1  }
0x97: {  	s14 =	sshra.s32 s14, $0x2;
	v4 =	vsel vm3, v4, v6  }
0x98: {  	s11 =	sadd.s32 $0x1, s11  }
0x99: {  	p0 =	sne.s32 s11, s6  }
.Ltmp2:
0x9a: {  	[tilespmem:s14+$0xA000] =	vst v4;
	(pc) =	sbr.rel @p0 .LBB2_1-.Ltmp2, $4  }
0x9b: {  	[hbm4b:s5+s2] =	stream.linear.scatter [tilespmem:s9], [sflag:$0x3], $0x40, $0x38;
	[tilespmem:$0xA080] =	vst v63  }
0x9c: {  	_ =	swait.ge [sflag:s10], $0x40  }
0x9d: {  	[sflag:s10] =	ssyncset.done $0x0  }
0x9e: {  	[sflag:s10] =	ssyncadd.s32 $0xFFFFFFC0  }
0x9f: {  	_ =	sfence.sel $0x180000  }
0xa0: {  	[bflag:$0x0] =	sbarrier.arrive $0xFFFF  }
0xa1: {  	p0 =	sne.s32 s1, $0x0;
	_ =	strace $0x90000047  }
0xa2: {  	s0 =	sadd.s32 @!p0 $0x100000, s0;
	[bflag:$0x2] =	sbarrier.arrive $0xFFFF  }
0xa3: {  	[sflag:s0] =	ssyncadd.tile.s32 @!p0 $0x1;
	_ =	shalt  }
.Lfunc_end2:
_tile_overlayer_lowered:
.L_overlay_start_2:
0xa4: {  	(tag) =	ssettag $0x2  }
0xa5: {  	s0 =	rddreg [dreg:$0x0];
	s2 =	stileid.u32  }
0xa6: {  	s1 =	rddreg [dreg:$0x1];
	p0 =	sne.s32 s2, $0x0  }
0xa7: {  	s3 =	rddreg [dreg:$0x2];
	[bflag:$0x3] =	sbarrier.arrive $0xFFFF;
	s2 =	simm.s32 @!p0 $0x1C03  }
0xa8: {  	[timem:s3], [sflag:s2] =	dma.local @!p0 [hbm:s0], s1  }
0xa9: {  	s0 =	simm.s32 @!p0 $0x3  }
0xaa: {  	_ =	swait.ge @!p0 [sflag:s0], s1  }
0xab: {  	s1 =	ssub.s32 @!p0 $0x0, s1;
	[sflag:s0] =	ssyncset.done @!p0 $0x0  }
0xac: {  	[sflag:s0] =	ssyncadd.s32 @!p0 s1  }
0xad: {  	[bflag:$0x3] =	sbarrier.arrive $0xFFFF  }
0xae: {  	_ =	shalt  }

</sc_bundles>
